<compile_context>
chip_gen: v7x
topology: tpu7x:2x2x1
jax: 0.10.2.dev20260603
libtpu: 0.0.44.dev20260713+nightly
codegen_flags: <defaults>
</compile_context>

<pallas_src>
import functools

import jax
import jax.numpy as jnp
from jax import lax
from jax.experimental import pallas as pl
from jax.experimental.pallas import tpu as pltpu
from jax.experimental.pallas import tpu_sc as plsc

_B = 16
_L = 512
_VOCAB = 30000
_TOTAL = 4096
_CLS = _VOCAB + 1
_SEP = _VOCAB + 2
_LANES = 16
_COLS_PER_TILE = _L // 2


def _make_kernel():
    mesh = plsc.VectorSubcoreMesh(
        core_axis_name="c", subcore_axis_name="s", num_cores=1
    )

    @functools.partial(
        pl.kernel,
        mesh=mesh,
        out_type=(
            jax.ShapeDtypeStruct((_B, _L), jnp.int32),
            jax.ShapeDtypeStruct((_B, _L), jnp.int32),
        ),
        compiler_params=pltpu.CompilerParams(needs_layout_passes=False),
        scratch_types=[
            pltpu.VMEM((8 + _TOTAL + 528,), jnp.int32),
            pltpu.VMEM((_TOTAL,), jnp.int32),
            pltpu.VMEM((_L,), jnp.int32),
            pltpu.VMEM((_L,), jnp.int32),
            pltpu.SemaphoreType.DMA,
            pltpu.SemaphoreType.DMA,
            pltpu.SemaphoreType.DMA,
            pltpu.SemaphoreType.DMA,
        ],
    )
    def tok_kernel(
        vals_hbm, seg_hbm, out_hbm, segout_hbm, vals_v, seg_v, out_v, zero_v,
        sem_s, sem_v, sem_z, sem_o
    ):
        row = lax.axis_index("s")

        cp_seg = pltpu.async_copy(seg_hbm, seg_v, sem_s)
        cp_vals = pltpu.async_copy(vals_hbm, vals_v.at[pl.ds(8, _TOTAL)], sem_v)

        def zero_body(v, carry):
            zero_v[pl.ds(v * _LANES, _LANES)] = jnp.zeros((_LANES,), jnp.int32)
            return carry

        lax.fori_loop(0, _L // _LANES, zero_body, 0)
        cp_zero = pltpu.async_copy(zero_v, segout_hbm.at[row], sem_z)

        cp_seg.wait()

        lane = lax.iota(jnp.int32, _LANES)

        def count_lt(r):
            base = jnp.int32(0)
            for step in (256, 16, 1):
                idx = base + lane * step + (step - 1)
                sv = plsc.load_gather(seg_v, [jnp.clip(idx, 0, _TOTAL - 1)])
                ok = jnp.where((sv < r) & (idx < _TOTAL), 1, 0).astype(jnp.int32)
                base = base + jnp.sum(ok) * step
            return base

        offs = count_lt(row)
        length = count_lt(row + 1) - offs
        cp_vals.wait()

        def out_body(v, carry):
            pos, gidx = carry
            for u in range(2):
                val = plsc.load_gather(vals_v, [gidx])
                res = jnp.where(
                    pos < length, val, jnp.where(pos == length, _SEP, 0)
                ).astype(jnp.int32)
                out_v[pl.ds(v * 2 * _LANES + u * _LANES, _LANES)] = res
                pos = pos + _LANES
                gidx = gidx + _LANES
            return (pos, gidx)

        pos0 = lane - 1
        gidx0 = offs + lane + 7
        half_iters = _L // (2 * _LANES) // 2
        carry = lax.fori_loop(0, half_iters, out_body, (pos0, gidx0))

        first = out_v[pl.ds(0, _LANES)]
        out_v[pl.ds(0, _LANES)] = jnp.where(lane == 0, _CLS, first).astype(jnp.int32)
        cp_out1 = pltpu.async_copy(
            out_v.at[pl.ds(0, _L // 2)], out_hbm.at[row, pl.ds(0, _L // 2)], sem_o
        )

        lax.fori_loop(half_iters, 2 * half_iters, out_body, carry)
        cp_out2 = pltpu.async_copy(
            out_v.at[pl.ds(_L // 2, _L // 2)],
            out_hbm.at[row, pl.ds(_L // 2, _L // 2)],
            sem_o,
        )
        cp_out1.wait()
        cp_out2.wait()
        cp_zero.wait()

    return tok_kernel


_tok = _make_kernel()


@jax.jit
def kernel(pieces_vals, segment_ids):
    tokens, segments = _tok(pieces_vals, segment_ids)
    return (tokens, segments)

# --- scband reference (transcript-rebuilt; emitter-appended) ---
"""Pipeline reference for scband-bert-input-57698590654999 (READ-ONLY COPY).

The authoritative reference and input builder live on the scoring server;
editing this copy changes nothing except your own understanding.
"""

import jax, jax.numpy as jnp
import numpy as np

B = 16
L = 512
VOCAB = 30000
TOTAL = 4096


def setup_inputs(seed: int = 0) -> dict:
    key = jax.random.key(seed)
    k1, k2 = jax.random.split(key)
    pieces_vals = jax.random.randint(k1, (TOTAL,), 0, VOCAB, dtype=jnp.int32)
    segment_ids = jnp.sort(jax.random.randint(k2, (TOTAL,), 0, B, dtype=jnp.int32))
    return {"pieces_vals": pieces_vals, "segment_ids": segment_ids}


def reference(pieces_vals, segment_ids):
    # Faithful translation of BertInput.call with a single ragged segment
    # (pieces not a Sequence). Ragged tensor is represented as flat values +
    # sorted per-token segment (row) ids.
    unk_id = 0
    cls_id = VOCAB + 1
    sep_id = VOCAB + 2
    # tf.where(tf.equal(pieces_a, 0), self.unk_id, pieces_a)
    vals = jnp.where(jnp.equal(pieces_vals, 0), unk_id, pieces_vals)
    # row_lengths of the ragged tensor
    row_lengths = jnp.bincount(segment_ids, length=B)
    # exclusive cumsum -> start offset of each row in the flat values
    offsets = jnp.concatenate([jnp.zeros((1,), row_lengths.dtype), jnp.cumsum(row_lengths)[:-1]])
    pos_in_row = jnp.arange(TOTAL) - offsets[segment_ids]
    # tokens = concat([cls, pieces, sep], axis=1) then pad(tokens, max_length)
    # (pad() fills with zeros, matching tf.zeros + to_tensor default 0)
    tokens = jnp.zeros((B, L), dtype=vals.dtype)
    tokens = tokens.at[:, 0].set(cls_id)
    tokens = tokens.at[segment_ids, pos_in_row + 1].set(vals)
    tokens = tokens.at[jnp.arange(B), row_lengths + 1].set(sep_id)
    # segments = zeros_like(merged_a), padded to max_length -> all zeros
    segments = jnp.zeros((B, L), dtype=vals.dtype)
    return (tokens, segments)

if __name__ == "__main__":
    import jax
    _d = setup_inputs()
    print(jax.jit(kernel)(*tuple(_d.values())))

</pallas_src>

<mosaic_0001>
#map = affine_map<(d0, d1) -> (0)>
#map1 = affine_map<(d0, d1) -> (0, 0)>
module attributes {stable_mosaic.version = 14 : i64} {
  func.func @tok_kernel(%arg0: i32, %arg1: i32, %arg2: memref<4096xi32, #tpu.memory_space<hbm>>, %arg3: memref<4096xi32, #tpu.memory_space<hbm>>, %arg4: memref<16x512xi32, #tpu.memory_space<hbm>>, %arg5: memref<16x512xi32, #tpu.memory_space<hbm>>, %arg6: memref<4632xi32, #tpu.memory_space<vmem>>, %arg7: memref<4096xi32, #tpu.memory_space<vmem>>, %arg8: memref<512xi32, #tpu.memory_space<vmem>>, %arg9: memref<512xi32, #tpu.memory_space<vmem>>, %arg10: memref<!tpu.dma_semaphore, #tpu.memory_space<semaphore_mem>>, %arg11: memref<!tpu.dma_semaphore, #tpu.memory_space<semaphore_mem>>, %arg12: memref<!tpu.dma_semaphore, #tpu.memory_space<semaphore_mem>>, %arg13: memref<!tpu.dma_semaphore, #tpu.memory_space<semaphore_mem>>) attributes {dimension_semantics = [#tpu.dimension_semantics<core_parallel>, #tpu.dimension_semantics<subcore_parallel>], iteration_bounds = array<i64: 1, 16>, scalar_prefetch = 0 : i64, scratch_operands = 8 : i64, tpu.core_type = #tpu.core_type<sc_vector_subcore>, window_params = [{transform_indices = #map}, {transform_indices = #map}, {transform_indices = #map1}, {transform_indices = #map1}]} {
    tpu.enqueue_dma source(%arg3 : memref<4096xi32, #tpu.memory_space<hbm>>) target(%arg7 : memref<4096xi32, #tpu.memory_space<vmem>>) target_semaphore(%arg10 : memref<!tpu.dma_semaphore, #tpu.memory_space<semaphore_mem>>)
    %dma_start3A = arith.constant 8 : i32
    %dma_start3A_0 = tpu.memref_slice %arg6[%dma_start3A] : memref<4632xi32, #tpu.memory_space<vmem>> -> memref<4096xi32, #tpu.memory_space<vmem>>
    %dma_start3A_1 = arith.constant 8 : i32
    %dma_start3A_2 = tpu.memref_slice %arg6[%dma_start3A_1] : memref<4632xi32, #tpu.memory_space<vmem>> -> memref<4096xi32, #tpu.memory_space<vmem>>
    tpu.enqueue_dma source(%arg2 : memref<4096xi32, #tpu.memory_space<hbm>>) target(%dma_start3A_2 : memref<4096xi32, #tpu.memory_space<vmem>>) target_semaphore(%arg11 : memref<!tpu.dma_semaphore, #tpu.memory_space<semaphore_mem>>)
    %scan3A = arith.constant 0 : i32
    %scan3A_3 = arith.constant 0 : i32
    %scan3A_4 = arith.constant 32 : i32
    %scan3A_5 = arith.addi %scan3A_3, %scan3A_4 : i32
    %scan3A_6 = arith.constant 1 : i32
    scf.for %scan3A_283 = %scan3A_3 to %scan3A_5 step %scan3A_6  : i32 {
      %broadcast_in_dim3A_284 = arith.constant 0 : i32
      %broadcast_in_dim3A_285 = vector.broadcast %broadcast_in_dim3A_284 : i32 to vector<16xi32>
      %mul3A_286 = arith.constant 16 : i32
      %mul3A_287 = arith.muli %scan3A_283, %mul3A_286 : i32
      %swap3A_288 = arith.index_cast %mul3A_287 : i32 to index
      %swap3A_289 = tpu.vector_load %arg9[%swap3A_288] {strides = array<i32>} : memref<512xi32, #tpu.memory_space<vmem>>, vector<16xi32>,
      tpu.vector_store %arg9[%swap3A_288], %broadcast_in_dim3A_285 {strides = array<i32>} : memref<512xi32, #tpu.memory_space<vmem>>, vector<16xi32>,
    }
    %scan3A_7 = arith.constant 32 : i32
    %dma_start3A_8 = arith.constant 0 : i32
    %dma_start3A_9 = tpu.memref_slice %arg5[%arg1, %dma_start3A_8] : memref<16x512xi32, #tpu.memory_space<hbm>> -> memref<1x512xi32, #tpu.memory_space<hbm>>
    %dma_start3A_10 = tpu.memref_squeeze %dma_start3A_9 : memref<1x512xi32, #tpu.memory_space<hbm>> -> memref<512xi32, #tpu.memory_space<hbm>>
    %dma_start3A_11 = arith.constant 0 : i32
    %dma_start3A_12 = tpu.memref_slice %arg5[%arg1, %dma_start3A_11] : memref<16x512xi32, #tpu.memory_space<hbm>> -> memref<1x512xi32, #tpu.memory_space<hbm>>
    %dma_start3A_13 = tpu.memref_squeeze %dma_start3A_12 : memref<1x512xi32, #tpu.memory_space<hbm>> -> memref<512xi32, #tpu.memory_space<hbm>>
    tpu.enqueue_dma source(%arg9 : memref<512xi32, #tpu.memory_space<vmem>>) target(%dma_start3A_13 : memref<512xi32, #tpu.memory_space<hbm>>) target_semaphore(%arg12 : memref<!tpu.dma_semaphore, #tpu.memory_space<semaphore_mem>>)
    tpu.wait_dma2 semaphore(%arg10 : memref<!tpu.dma_semaphore, #tpu.memory_space<semaphore_mem>>) src(%arg3 : memref<4096xi32, #tpu.memory_space<hbm>>) dst(%arg7 : memref<4096xi32, #tpu.memory_space<vmem>>)
    %iota3A = tpu.iota {dimensions = array<i32: 0>} : vector<16xi32>
    %mul3A = arith.constant 256 : i32
    %mul3A_14 = vector.broadcast %mul3A : i32 to vector<16xi32>
    %mul3A_15 = arith.muli %iota3A, %mul3A_14 : vector<16xi32>
    %add3A = arith.constant 0 : i32
    %add3A_16 = vector.broadcast %add3A : i32 to vector<16xi32>
    %add3A_17 = arith.addi %add3A_16, %mul3A_15 : vector<16xi32>
    %add3A_18 = arith.constant 255 : i32
    %add3A_19 = vector.broadcast %add3A_18 : i32 to vector<16xi32>
    %add3A_20 = arith.addi %add3A_17, %add3A_19 : vector<16xi32>
    %jit3A = arith.constant 0 : i32
    %jit3A_21 = arith.constant 4095 : i32
    %max3A = vector.broadcast %jit3A : i32 to vector<16xi32>
    %max3A_22 = arith.maxsi %max3A, %add3A_20 : vector<16xi32>
    %min3A = vector.broadcast %jit3A_21 : i32 to vector<16xi32>
    %min3A_23 = arith.minsi %min3A, %max3A_22 : vector<16xi32>
    %gather3A = tpu.vector_load_idx %arg7[%min3A_23] : memref<4096xi32, #tpu.memory_space<vmem>>[vector<16xi32>], vector<16xi32>,
    %lt3A = vector.broadcast %arg1 : i32 to vector<16xi32>
    %lt3A_24 = arith.cmpi slt, %gather3A, %lt3A : vector<16xi32>
    %lt3A_25 = arith.constant 4096 : i32
    %lt3A_26 = vector.broadcast %lt3A_25 : i32 to vector<16xi32>
    %lt3A_27 = arith.cmpi slt, %add3A_20, %lt3A_26 : vector<16xi32>
    %and3A = arith.andi %lt3A_24, %lt3A_27 : vector<16xi1>
    %jit3A_28 = arith.constant 1 : i32
    %jit3A_29 = arith.constant 0 : i32
    %broadcast_in_dim3A = vector.broadcast %jit3A_28 : i32 to vector<16xi32>
    %broadcast_in_dim3A_30 = vector.broadcast %jit3A_29 : i32 to vector<16xi32>
    %select_n3A = arith.select %and3A, %broadcast_in_dim3A, %broadcast_in_dim3A_30 : vector<16xi1>, vector<16xi32>
    %reduce_sum3A = arith.constant true
    %reduce_sum3A_31 = vector.broadcast %reduce_sum3A : i1 to vector<16xi1>
    %reduce_sum3A_32 = tpu.scan <sum>, %select_n3A masked %reduce_sum3A_31 : vector<16xi32>, vector<16xi1> -> vector<16xi32>
    %reduce_sum3A_33 = vector.extract %reduce_sum3A_32[15] : i32 from vector<16xi32>
    %mul3A_34 = arith.constant 256 : i32
    %mul3A_35 = arith.muli %reduce_sum3A_33, %mul3A_34 : i32
    %add3A_36 = arith.constant 0 : i32
    %add3A_37 = arith.addi %add3A_36, %mul3A_35 : i32
    %mul3A_38 = arith.constant 16 : i32
    %mul3A_39 = vector.broadcast %mul3A_38 : i32 to vector<16xi32>
    %mul3A_40 = arith.muli %iota3A, %mul3A_39 : vector<16xi32>
    %add3A_41 = vector.broadcast %add3A_37 : i32 to vector<16xi32>
    %add3A_42 = arith.addi %add3A_41, %mul3A_40 : vector<16xi32>
    %add3A_43 = arith.constant 15 : i32
    %add3A_44 = vector.broadcast %add3A_43 : i32 to vector<16xi32>
    %add3A_45 = arith.addi %add3A_42, %add3A_44 : vector<16xi32>
    %jit3A_46 = arith.constant 0 : i32
    %jit3A_47 = arith.constant 4095 : i32
    %max3A_48 = vector.broadcast %jit3A_46 : i32 to vector<16xi32>
    %max3A_49 = arith.maxsi %max3A_48, %add3A_45 : vector<16xi32>
    %min3A_50 = vector.broadcast %jit3A_47 : i32 to vector<16xi32>
    %min3A_51 = arith.minsi %min3A_50, %max3A_49 : vector<16xi32>
    %gather3A_52 = tpu.vector_load_idx %arg7[%min3A_51] : memref<4096xi32, #tpu.memory_space<vmem>>[vector<16xi32>], vector<16xi32>,
    %lt3A_53 = vector.broadcast %arg1 : i32 to vector<16xi32>
    %lt3A_54 = arith.cmpi slt, %gather3A_52, %lt3A_53 : vector<16xi32>
    %lt3A_55 = arith.constant 4096 : i32
    %lt3A_56 = vector.broadcast %lt3A_55 : i32 to vector<16xi32>
    %lt3A_57 = arith.cmpi slt, %add3A_45, %lt3A_56 : vector<16xi32>
    %and3A_58 = arith.andi %lt3A_54, %lt3A_57 : vector<16xi1>
    %jit3A_59 = arith.constant 1 : i32
    %jit3A_60 = arith.constant 0 : i32
    %broadcast_in_dim3A_61 = vector.broadcast %jit3A_59 : i32 to vector<16xi32>
    %broadcast_in_dim3A_62 = vector.broadcast %jit3A_60 : i32 to vector<16xi32>
    %select_n3A_63 = arith.select %and3A_58, %broadcast_in_dim3A_61, %broadcast_in_dim3A_62 : vector<16xi1>, vector<16xi32>
    %reduce_sum3A_64 = arith.constant true
    %reduce_sum3A_65 = vector.broadcast %reduce_sum3A_64 : i1 to vector<16xi1>
    %reduce_sum3A_66 = tpu.scan <sum>, %select_n3A_63 masked %reduce_sum3A_65 : vector<16xi32>, vector<16xi1> -> vector<16xi32>
    %reduce_sum3A_67 = vector.extract %reduce_sum3A_66[15] : i32 from vector<16xi32>
    %mul3A_68 = arith.constant 16 : i32
    %mul3A_69 = arith.muli %reduce_sum3A_67, %mul3A_68 : i32
    %add3A_70 = arith.addi %add3A_37, %mul3A_69 : i32
    %mul3A_71 = arith.constant 1 : i32
    %mul3A_72 = vector.broadcast %mul3A_71 : i32 to vector<16xi32>
    %mul3A_73 = arith.muli %iota3A, %mul3A_72 : vector<16xi32>
    %add3A_74 = vector.broadcast %add3A_70 : i32 to vector<16xi32>
    %add3A_75 = arith.addi %add3A_74, %mul3A_73 : vector<16xi32>
    %add3A_76 = arith.constant 0 : i32
    %add3A_77 = vector.broadcast %add3A_76 : i32 to vector<16xi32>
    %add3A_78 = arith.addi %add3A_75, %add3A_77 : vector<16xi32>
    %jit3A_79 = arith.constant 0 : i32
    %jit3A_80 = arith.constant 4095 : i32
    %max3A_81 = vector.broadcast %jit3A_79 : i32 to vector<16xi32>
    %max3A_82 = arith.maxsi %max3A_81, %add3A_78 : vector<16xi32>
    %min3A_83 = vector.broadcast %jit3A_80 : i32 to vector<16xi32>
    %min3A_84 = arith.minsi %min3A_83, %max3A_82 : vector<16xi32>
    %gather3A_85 = tpu.vector_load_idx %arg7[%min3A_84] : memref<4096xi32, #tpu.memory_space<vmem>>[vector<16xi32>], vector<16xi32>,
    %lt3A_86 = vector.broadcast %arg1 : i32 to vector<16xi32>
    %lt3A_87 = arith.cmpi slt, %gather3A_85, %lt3A_86 : vector<16xi32>
    %lt3A_88 = arith.constant 4096 : i32
    %lt3A_89 = vector.broadcast %lt3A_88 : i32 to vector<16xi32>
    %lt3A_90 = arith.cmpi slt, %add3A_78, %lt3A_89 : vector<16xi32>
    %and3A_91 = arith.andi %lt3A_87, %lt3A_90 : vector<16xi1>
    %jit3A_92 = arith.constant 1 : i32
    %jit3A_93 = arith.constant 0 : i32
    %broadcast_in_dim3A_94 = vector.broadcast %jit3A_92 : i32 to vector<16xi32>
    %broadcast_in_dim3A_95 = vector.broadcast %jit3A_93 : i32 to vector<16xi32>
    %select_n3A_96 = arith.select %and3A_91, %broadcast_in_dim3A_94, %broadcast_in_dim3A_95 : vector<16xi1>, vector<16xi32>
    %reduce_sum3A_97 = arith.constant true
    %reduce_sum3A_98 = vector.broadcast %reduce_sum3A_97 : i1 to vector<16xi1>
    %reduce_sum3A_99 = tpu.scan <sum>, %select_n3A_96 masked %reduce_sum3A_98 : vector<16xi32>, vector<16xi1> -> vector<16xi32>
    %reduce_sum3A_100 = vector.extract %reduce_sum3A_99[15] : i32 from vector<16xi32>
    %mul3A_101 = arith.constant 1 : i32
    %mul3A_102 = arith.muli %reduce_sum3A_100, %mul3A_101 : i32
    %add3A_103 = arith.addi %add3A_70, %mul3A_102 : i32
    %add3A_104 = arith.constant 1 : i32
    %add3A_105 = arith.addi %arg1, %add3A_104 : i32
    %mul3A_106 = arith.constant 256 : i32
    %mul3A_107 = vector.broadcast %mul3A_106 : i32 to vector<16xi32>
    %mul3A_108 = arith.muli %iota3A, %mul3A_107 : vector<16xi32>
    %add3A_109 = arith.constant 0 : i32
    %add3A_110 = vector.broadcast %add3A_109 : i32 to vector<16xi32>
    %add3A_111 = arith.addi %add3A_110, %mul3A_108 : vector<16xi32>
    %add3A_112 = arith.constant 255 : i32
    %add3A_113 = vector.broadcast %add3A_112 : i32 to vector<16xi32>
    %add3A_114 = arith.addi %add3A_111, %add3A_113 : vector<16xi32>
    %jit3A_115 = arith.constant 0 : i32
    %jit3A_116 = arith.constant 4095 : i32
    %max3A_117 = vector.broadcast %jit3A_115 : i32 to vector<16xi32>
    %max3A_118 = arith.maxsi %max3A_117, %add3A_114 : vector<16xi32>
    %min3A_119 = vector.broadcast %jit3A_116 : i32 to vector<16xi32>
    %min3A_120 = arith.minsi %min3A_119, %max3A_118 : vector<16xi32>
    %gather3A_121 = tpu.vector_load_idx %arg7[%min3A_120] : memref<4096xi32, #tpu.memory_space<vmem>>[vector<16xi32>], vector<16xi32>,
    %lt3A_122 = vector.broadcast %add3A_105 : i32 to vector<16xi32>
    %lt3A_123 = arith.cmpi slt, %gather3A_121, %lt3A_122 : vector<16xi32>
    %lt3A_124 = arith.constant 4096 : i32
    %lt3A_125 = vector.broadcast %lt3A_124 : i32 to vector<16xi32>
    %lt3A_126 = arith.cmpi slt, %add3A_114, %lt3A_125 : vector<16xi32>
    %and3A_127 = arith.andi %lt3A_123, %lt3A_126 : vector<16xi1>
    %jit3A_128 = arith.constant 1 : i32
    %jit3A_129 = arith.constant 0 : i32
    %broadcast_in_dim3A_130 = vector.broadcast %jit3A_128 : i32 to vector<16xi32>
    %broadcast_in_dim3A_131 = vector.broadcast %jit3A_129 : i32 to vector<16xi32>
    %select_n3A_132 = arith.select %and3A_127, %broadcast_in_dim3A_130, %broadcast_in_dim3A_131 : vector<16xi1>, vector<16xi32>
    %reduce_sum3A_133 = arith.constant true
    %reduce_sum3A_134 = vector.broadcast %reduce_sum3A_133 : i1 to vector<16xi1>
    %reduce_sum3A_135 = tpu.scan <sum>, %select_n3A_132 masked %reduce_sum3A_134 : vector<16xi32>, vector<16xi1> -> vector<16xi32>
    %reduce_sum3A_136 = vector.extract %reduce_sum3A_135[15] : i32 from vector<16xi32>
    %mul3A_137 = arith.constant 256 : i32
    %mul3A_138 = arith.muli %reduce_sum3A_136, %mul3A_137 : i32
    %add3A_139 = arith.constant 0 : i32
    %add3A_140 = arith.addi %add3A_139, %mul3A_138 : i32
    %mul3A_141 = arith.constant 16 : i32
    %mul3A_142 = vector.broadcast %mul3A_141 : i32 to vector<16xi32>
    %mul3A_143 = arith.muli %iota3A, %mul3A_142 : vector<16xi32>
    %add3A_144 = vector.broadcast %add3A_140 : i32 to vector<16xi32>
    %add3A_145 = arith.addi %add3A_144, %mul3A_143 : vector<16xi32>
    %add3A_146 = arith.constant 15 : i32
    %add3A_147 = vector.broadcast %add3A_146 : i32 to vector<16xi32>
    %add3A_148 = arith.addi %add3A_145, %add3A_147 : vector<16xi32>
    %jit3A_149 = arith.constant 0 : i32
    %jit3A_150 = arith.constant 4095 : i32
    %max3A_151 = vector.broadcast %jit3A_149 : i32 to vector<16xi32>
    %max3A_152 = arith.maxsi %max3A_151, %add3A_148 : vector<16xi32>
    %min3A_153 = vector.broadcast %jit3A_150 : i32 to vector<16xi32>
    %min3A_154 = arith.minsi %min3A_153, %max3A_152 : vector<16xi32>
    %gather3A_155 = tpu.vector_load_idx %arg7[%min3A_154] : memref<4096xi32, #tpu.memory_space<vmem>>[vector<16xi32>], vector<16xi32>,
    %lt3A_156 = vector.broadcast %add3A_105 : i32 to vector<16xi32>
    %lt3A_157 = arith.cmpi slt, %gather3A_155, %lt3A_156 : vector<16xi32>
    %lt3A_158 = arith.constant 4096 : i32
    %lt3A_159 = vector.broadcast %lt3A_158 : i32 to vector<16xi32>
    %lt3A_160 = arith.cmpi slt, %add3A_148, %lt3A_159 : vector<16xi32>
    %and3A_161 = arith.andi %lt3A_157, %lt3A_160 : vector<16xi1>
    %jit3A_162 = arith.constant 1 : i32
    %jit3A_163 = arith.constant 0 : i32
    %broadcast_in_dim3A_164 = vector.broadcast %jit3A_162 : i32 to vector<16xi32>
    %broadcast_in_dim3A_165 = vector.broadcast %jit3A_163 : i32 to vector<16xi32>
    %select_n3A_166 = arith.select %and3A_161, %broadcast_in_dim3A_164, %broadcast_in_dim3A_165 : vector<16xi1>, vector<16xi32>
    %reduce_sum3A_167 = arith.constant true
    %reduce_sum3A_168 = vector.broadcast %reduce_sum3A_167 : i1 to vector<16xi1>
    %reduce_sum3A_169 = tpu.scan <sum>, %select_n3A_166 masked %reduce_sum3A_168 : vector<16xi32>, vector<16xi1> -> vector<16xi32>
    %reduce_sum3A_170 = vector.extract %reduce_sum3A_169[15] : i32 from vector<16xi32>
    %mul3A_171 = arith.constant 16 : i32
    %mul3A_172 = arith.muli %reduce_sum3A_170, %mul3A_171 : i32
    %add3A_173 = arith.addi %add3A_140, %mul3A_172 : i32
    %mul3A_174 = arith.constant 1 : i32
    %mul3A_175 = vector.broadcast %mul3A_174 : i32 to vector<16xi32>
    %mul3A_176 = arith.muli %iota3A, %mul3A_175 : vector<16xi32>
    %add3A_177 = vector.broadcast %add3A_173 : i32 to vector<16xi32>
    %add3A_178 = arith.addi %add3A_177, %mul3A_176 : vector<16xi32>
    %add3A_179 = arith.constant 0 : i32
    %add3A_180 = vector.broadcast %add3A_179 : i32 to vector<16xi32>
    %add3A_181 = arith.addi %add3A_178, %add3A_180 : vector<16xi32>
    %jit3A_182 = arith.constant 0 : i32
    %jit3A_183 = arith.constant 4095 : i32
    %max3A_184 = vector.broadcast %jit3A_182 : i32 to vector<16xi32>
    %max3A_185 = arith.maxsi %max3A_184, %add3A_181 : vector<16xi32>
    %min3A_186 = vector.broadcast %jit3A_183 : i32 to vector<16xi32>
    %min3A_187 = arith.minsi %min3A_186, %max3A_185 : vector<16xi32>
    %gather3A_188 = tpu.vector_load_idx %arg7[%min3A_187] : memref<4096xi32, #tpu.memory_space<vmem>>[vector<16xi32>], vector<16xi32>,
    %lt3A_189 = vector.broadcast %add3A_105 : i32 to vector<16xi32>
    %lt3A_190 = arith.cmpi slt, %gather3A_188, %lt3A_189 : vector<16xi32>
    %lt3A_191 = arith.constant 4096 : i32
    %lt3A_192 = vector.broadcast %lt3A_191 : i32 to vector<16xi32>
    %lt3A_193 = arith.cmpi slt, %add3A_181, %lt3A_192 : vector<16xi32>
    %and3A_194 = arith.andi %lt3A_190, %lt3A_193 : vector<16xi1>
    %jit3A_195 = arith.constant 1 : i32
    %jit3A_196 = arith.constant 0 : i32
    %broadcast_in_dim3A_197 = vector.broadcast %jit3A_195 : i32 to vector<16xi32>
    %broadcast_in_dim3A_198 = vector.broadcast %jit3A_196 : i32 to vector<16xi32>
    %select_n3A_199 = arith.select %and3A_194, %broadcast_in_dim3A_197, %broadcast_in_dim3A_198 : vector<16xi1>, vector<16xi32>
    %reduce_sum3A_200 = arith.constant true
    %reduce_sum3A_201 = vector.broadcast %reduce_sum3A_200 : i1 to vector<16xi1>
    %reduce_sum3A_202 = tpu.scan <sum>, %select_n3A_199 masked %reduce_sum3A_201 : vector<16xi32>, vector<16xi1> -> vector<16xi32>
    %reduce_sum3A_203 = vector.extract %reduce_sum3A_202[15] : i32 from vector<16xi32>
    %mul3A_204 = arith.constant 1 : i32
    %mul3A_205 = arith.muli %reduce_sum3A_203, %mul3A_204 : i32
    %add3A_206 = arith.addi %add3A_173, %mul3A_205 : i32
    %sub3A = arith.subi %add3A_206, %add3A_103 : i32
    %dma_wait3A = arith.constant 8 : i32
    %dma_wait3A_207 = tpu.memref_slice %arg6[%dma_wait3A] : memref<4632xi32, #tpu.memory_space<vmem>> -> memref<4096xi32, #tpu.memory_space<vmem>>
    %dma_wait3A_208 = arith.constant 8 : i32
    %dma_wait3A_209 = tpu.memref_slice %arg6[%dma_wait3A_208] : memref<4632xi32, #tpu.memory_space<vmem>> -> memref<4096xi32, #tpu.memory_space<vmem>>
    tpu.wait_dma2 semaphore(%arg11 : memref<!tpu.dma_semaphore, #tpu.memory_space<semaphore_mem>>) src(%arg2 : memref<4096xi32, #tpu.memory_space<hbm>>) dst(%dma_wait3A_209 : memref<4096xi32, #tpu.memory_space<vmem>>)
    %sub3A_210 = arith.constant 1 : i32
    %sub3A_211 = vector.broadcast %sub3A_210 : i32 to vector<16xi32>
    %sub3A_212 = arith.subi %iota3A, %sub3A_211 : vector<16xi32>
    %add3A_213 = vector.broadcast %add3A_103 : i32 to vector<16xi32>
    %add3A_214 = arith.addi %add3A_213, %iota3A : vector<16xi32>
    %add3A_215 = arith.constant 7 : i32
    %add3A_216 = vector.broadcast %add3A_215 : i32 to vector<16xi32>
    %add3A_217 = arith.addi %add3A_214, %add3A_216 : vector<16xi32>
    %scan3A_218 = arith.constant 0 : i32
    %scan3A_219 = arith.constant 8 : i32
    %scan3A_220 = arith.addi %scan3A_218, %scan3A_219 : i32
    %scan3A_221 = arith.constant 1 : i32
    %scan3A_222:2 = scf.for %scan3A_283 = %scan3A_218 to %scan3A_220 step %scan3A_221 iter_args(%scan3A_284 = %sub3A_212, %scan3A_285 = %add3A_217) -> (vector<16xi32>, vector<16xi32>)  : i32 {
      %gather3A_286 = tpu.vector_load_idx %arg6[%scan3A_285] : memref<4632xi32, #tpu.memory_space<vmem>>[vector<16xi32>], vector<16xi32>,
      %lt3A_287 = vector.broadcast %sub3A : i32 to vector<16xi32>
      %lt3A_288 = arith.cmpi slt, %scan3A_284, %lt3A_287 : vector<16xi32>
      %eq3A_289 = vector.broadcast %sub3A : i32 to vector<16xi32>
      %eq3A_290 = arith.cmpi eq, %scan3A_284, %eq3A_289 : vector<16xi32>
      %jit3A_291 = arith.constant 30002 : i32
      %jit3A_292 = arith.constant 0 : i32
      %broadcast_in_dim3A_293 = vector.broadcast %jit3A_291 : i32 to vector<16xi32>
      %broadcast_in_dim3A_294 = vector.broadcast %jit3A_292 : i32 to vector<16xi32>
      %select_n3A_295 = arith.select %eq3A_290, %broadcast_in_dim3A_293, %broadcast_in_dim3A_294 : vector<16xi1>, vector<16xi32>
      %select_n3A_296 = arith.select %lt3A_288, %gather3A_286, %select_n3A_295 : vector<16xi1>, vector<16xi32>
      %mul3A_297 = arith.constant 2 : i32
      %mul3A_298 = arith.muli %scan3A_283, %mul3A_297 : i32
      %mul3A_299 = arith.constant 16 : i32
      %mul3A_300 = arith.muli %mul3A_298, %mul3A_299 : i32
      %add3A_301 = arith.constant 0 : i32
      %add3A_302 = arith.addi %mul3A_300, %add3A_301 : i32
      %swap3A_303 = arith.index_cast %add3A_302 : i32 to index
      %swap3A_304 = tpu.vector_load %arg8[%swap3A_303] {strides = array<i32>} : memref<512xi32, #tpu.memory_space<vmem>>, vector<16xi32>,
      tpu.vector_store %arg8[%swap3A_303], %select_n3A_296 {strides = array<i32>} : memref<512xi32, #tpu.memory_space<vmem>>, vector<16xi32>,
      %add3A_305 = arith.constant 16 : i32
      %add3A_306 = vector.broadcast %add3A_305 : i32 to vector<16xi32>
      %add3A_307 = arith.addi %scan3A_284, %add3A_306 : vector<16xi32>
      %add3A_308 = arith.constant 16 : i32
      %add3A_309 = vector.broadcast %add3A_308 : i32 to vector<16xi32>
      %add3A_310 = arith.addi %scan3A_285, %add3A_309 : vector<16xi32>
      %gather3A_311 = tpu.vector_load_idx %arg6[%add3A_310] : memref<4632xi32, #tpu.memory_space<vmem>>[vector<16xi32>], vector<16xi32>,
      %lt3A_312 = vector.broadcast %sub3A : i32 to vector<16xi32>
      %lt3A_313 = arith.cmpi slt, %add3A_307, %lt3A_312 : vector<16xi32>
      %eq3A_314 = vector.broadcast %sub3A : i32 to vector<16xi32>
      %eq3A_315 = arith.cmpi eq, %add3A_307, %eq3A_314 : vector<16xi32>
      %jit3A_316 = arith.constant 30002 : i32
      %jit3A_317 = arith.constant 0 : i32
      %broadcast_in_dim3A_318 = vector.broadcast %jit3A_316 : i32 to vector<16xi32>
      %broadcast_in_dim3A_319 = vector.broadcast %jit3A_317 : i32 to vector<16xi32>
      %select_n3A_320 = arith.select %eq3A_315, %broadcast_in_dim3A_318, %broadcast_in_dim3A_319 : vector<16xi1>, vector<16xi32>
      %select_n3A_321 = arith.select %lt3A_313, %gather3A_311, %select_n3A_320 : vector<16xi1>, vector<16xi32>
      %mul3A_322 = arith.constant 2 : i32
      %mul3A_323 = arith.muli %scan3A_283, %mul3A_322 : i32
      %mul3A_324 = arith.constant 16 : i32
      %mul3A_325 = arith.muli %mul3A_323, %mul3A_324 : i32
      %add3A_326 = arith.constant 16 : i32
      %add3A_327 = arith.addi %mul3A_325, %add3A_326 : i32
      %swap3A_328 = arith.index_cast %add3A_327 : i32 to index
      %swap3A_329 = tpu.vector_load %arg8[%swap3A_328] {strides = array<i32>} : memref<512xi32, #tpu.memory_space<vmem>>, vector<16xi32>,
      tpu.vector_store %arg8[%swap3A_328], %select_n3A_321 {strides = array<i32>} : memref<512xi32, #tpu.memory_space<vmem>>, vector<16xi32>,
      %add3A_330 = arith.constant 16 : i32
      %add3A_331 = vector.broadcast %add3A_330 : i32 to vector<16xi32>
      %add3A_332 = arith.addi %add3A_307, %add3A_331 : vector<16xi32>
      %add3A_333 = arith.constant 16 : i32
      %add3A_334 = vector.broadcast %add3A_333 : i32 to vector<16xi32>
      %add3A_335 = arith.addi %add3A_310, %add3A_334 : vector<16xi32>
      scf.yield %add3A_332, %add3A_335 : vector<16xi32>, vector<16xi32>
    }
    %scan3A_223 = arith.constant 8 : i32
    %get3A = arith.constant 0 : index
    %get3A_224 = tpu.vector_load %arg8[%get3A] {strides = array<i32>} : memref<512xi32, #tpu.memory_space<vmem>>, vector<16xi32>,
    %eq3A = arith.constant 0 : i32
    %eq3A_225 = vector.broadcast %eq3A : i32 to vector<16xi32>
    %eq3A_226 = arith.cmpi eq, %iota3A, %eq3A_225 : vector<16xi32>
    %jit3A_227 = arith.constant 30001 : i32
    %broadcast_in_dim3A_228 = vector.broadcast %jit3A_227 : i32 to vector<16xi32>
    %select_n3A_229 = arith.select %eq3A_226, %broadcast_in_dim3A_228, %get3A_224 : vector<16xi1>, vector<16xi32>
    %swap3A = arith.constant 0 : index
    %swap3A_230 = tpu.vector_load %arg8[%swap3A] {strides = array<i32>} : memref<512xi32, #tpu.memory_space<vmem>>, vector<16xi32>,
    tpu.vector_store %arg8[%swap3A], %select_n3A_229 {strides = array<i32>} : memref<512xi32, #tpu.memory_space<vmem>>, vector<16xi32>,
    %dma_start3A_231 = arith.constant 0 : i32
    %dma_start3A_232 = tpu.memref_slice %arg8[%dma_start3A_231] : memref<512xi32, #tpu.memory_space<vmem>> -> memref<256xi32, #tpu.memory_space<vmem>>
    %dma_start3A_233 = arith.constant 0 : i32
    %dma_start3A_234 = tpu.memref_slice %arg4[%arg1, %dma_start3A_233] : memref<16x512xi32, #tpu.memory_space<hbm>> -> memref<1x256xi32, #tpu.memory_space<hbm>>
    %dma_start3A_235 = tpu.memref_squeeze %dma_start3A_234 : memref<1x256xi32, #tpu.memory_space<hbm>> -> memref<256xi32, #tpu.memory_space<hbm>>
    %dma_start3A_236 = arith.constant 0 : i32
    %dma_start3A_237 = tpu.memref_slice %arg4[%arg1, %dma_start3A_236] : memref<16x512xi32, #tpu.memory_space<hbm>> -> memref<1x256xi32, #tpu.memory_space<hbm>>
    %dma_start3A_238 = tpu.memref_squeeze %dma_start3A_237 : memref<1x256xi32, #tpu.memory_space<hbm>> -> memref<256xi32, #tpu.memory_space<hbm>>
    %dma_start3A_239 = arith.constant 0 : i32
    %dma_start3A_240 = tpu.memref_slice %arg8[%dma_start3A_239] : memref<512xi32, #tpu.memory_space<vmem>> -> memref<256xi32, #tpu.memory_space<vmem>>
    tpu.enqueue_dma source(%dma_start3A_240 : memref<256xi32, #tpu.memory_space<vmem>>) target(%dma_start3A_238 : memref<256xi32, #tpu.memory_space<hbm>>) target_semaphore(%arg13 : memref<!tpu.dma_semaphore, #tpu.memory_space<semaphore_mem>>)
    %scan3A_241 = arith.constant 8 : i32
    %scan3A_242 = arith.constant 8 : i32
    %scan3A_243 = arith.addi %scan3A_241, %scan3A_242 : i32
    %scan3A_244 = arith.constant 1 : i32
    %scan3A_245:2 = scf.for %scan3A_283 = %scan3A_241 to %scan3A_243 step %scan3A_244 iter_args(%scan3A_284 = %scan3A_222#0, %scan3A_285 = %scan3A_222#1) -> (vector<16xi32>, vector<16xi32>)  : i32 {
      %gather3A_286 = tpu.vector_load_idx %arg6[%scan3A_285] : memref<4632xi32, #tpu.memory_space<vmem>>[vector<16xi32>], vector<16xi32>,
      %lt3A_287 = vector.broadcast %sub3A : i32 to vector<16xi32>
      %lt3A_288 = arith.cmpi slt, %scan3A_284, %lt3A_287 : vector<16xi32>
      %eq3A_289 = vector.broadcast %sub3A : i32 to vector<16xi32>
      %eq3A_290 = arith.cmpi eq, %scan3A_284, %eq3A_289 : vector<16xi32>
      %jit3A_291 = arith.constant 30002 : i32
      %jit3A_292 = arith.constant 0 : i32
      %broadcast_in_dim3A_293 = vector.broadcast %jit3A_291 : i32 to vector<16xi32>
      %broadcast_in_dim3A_294 = vector.broadcast %jit3A_292 : i32 to vector<16xi32>
      %select_n3A_295 = arith.select %eq3A_290, %broadcast_in_dim3A_293, %broadcast_in_dim3A_294 : vector<16xi1>, vector<16xi32>
      %select_n3A_296 = arith.select %lt3A_288, %gather3A_286, %select_n3A_295 : vector<16xi1>, vector<16xi32>
      %mul3A_297 = arith.constant 2 : i32
      %mul3A_298 = arith.muli %scan3A_283, %mul3A_297 : i32
      %mul3A_299 = arith.constant 16 : i32
      %mul3A_300 = arith.muli %mul3A_298, %mul3A_299 : i32
      %add3A_301 = arith.constant 0 : i32
      %add3A_302 = arith.addi %mul3A_300, %add3A_301 : i32
      %swap3A_303 = arith.index_cast %add3A_302 : i32 to index
      %swap3A_304 = tpu.vector_load %arg8[%swap3A_303] {strides = array<i32>} : memref<512xi32, #tpu.memory_space<vmem>>, vector<16xi32>,
      tpu.vector_store %arg8[%swap3A_303], %select_n3A_296 {strides = array<i32>} : memref<512xi32, #tpu.memory_space<vmem>>, vector<16xi32>,
      %add3A_305 = arith.constant 16 : i32
      %add3A_306 = vector.broadcast %add3A_305 : i32 to vector<16xi32>
      %add3A_307 = arith.addi %scan3A_284, %add3A_306 : vector<16xi32>
      %add3A_308 = arith.constant 16 : i32
      %add3A_309 = vector.broadcast %add3A_308 : i32 to vector<16xi32>
      %add3A_310 = arith.addi %scan3A_285, %add3A_309 : vector<16xi32>
      %gather3A_311 = tpu.vector_load_idx %arg6[%add3A_310] : memref<4632xi32, #tpu.memory_space<vmem>>[vector<16xi32>], vector<16xi32>,
      %lt3A_312 = vector.broadcast %sub3A : i32 to vector<16xi32>
      %lt3A_313 = arith.cmpi slt, %add3A_307, %lt3A_312 : vector<16xi32>
      %eq3A_314 = vector.broadcast %sub3A : i32 to vector<16xi32>
      %eq3A_315 = arith.cmpi eq, %add3A_307, %eq3A_314 : vector<16xi32>
      %jit3A_316 = arith.constant 30002 : i32
      %jit3A_317 = arith.constant 0 : i32
      %broadcast_in_dim3A_318 = vector.broadcast %jit3A_316 : i32 to vector<16xi32>
      %broadcast_in_dim3A_319 = vector.broadcast %jit3A_317 : i32 to vector<16xi32>
      %select_n3A_320 = arith.select %eq3A_315, %broadcast_in_dim3A_318, %broadcast_in_dim3A_319 : vector<16xi1>, vector<16xi32>
      %select_n3A_321 = arith.select %lt3A_313, %gather3A_311, %select_n3A_320 : vector<16xi1>, vector<16xi32>
      %mul3A_322 = arith.constant 2 : i32
      %mul3A_323 = arith.muli %scan3A_283, %mul3A_322 : i32
      %mul3A_324 = arith.constant 16 : i32
      %mul3A_325 = arith.muli %mul3A_323, %mul3A_324 : i32
      %add3A_326 = arith.constant 16 : i32
      %add3A_327 = arith.addi %mul3A_325, %add3A_326 : i32
      %swap3A_328 = arith.index_cast %add3A_327 : i32 to index
      %swap3A_329 = tpu.vector_load %arg8[%swap3A_328] {strides = array<i32>} : memref<512xi32, #tpu.memory_space<vmem>>, vector<16xi32>,
      tpu.vector_store %arg8[%swap3A_328], %select_n3A_321 {strides = array<i32>} : memref<512xi32, #tpu.memory_space<vmem>>, vector<16xi32>,
      %add3A_330 = arith.constant 16 : i32
      %add3A_331 = vector.broadcast %add3A_330 : i32 to vector<16xi32>
      %add3A_332 = arith.addi %add3A_307, %add3A_331 : vector<16xi32>
      %add3A_333 = arith.constant 16 : i32
      %add3A_334 = vector.broadcast %add3A_333 : i32 to vector<16xi32>
      %add3A_335 = arith.addi %add3A_310, %add3A_334 : vector<16xi32>
      scf.yield %add3A_332, %add3A_335 : vector<16xi32>, vector<16xi32>
    }
    %scan3A_246 = arith.constant 8 : i32
    %dma_start3A_247 = arith.constant 256 : i32
    %dma_start3A_248 = tpu.memref_slice %arg8[%dma_start3A_247] : memref<512xi32, #tpu.memory_space<vmem>> -> memref<256xi32, #tpu.memory_space<vmem>>
    %dma_start3A_249 = arith.constant 256 : i32
    %dma_start3A_250 = tpu.memref_slice %arg4[%arg1, %dma_start3A_249] : memref<16x512xi32, #tpu.memory_space<hbm>> -> memref<1x256xi32, #tpu.memory_space<hbm>>
    %dma_start3A_251 = tpu.memref_squeeze %dma_start3A_250 : memref<1x256xi32, #tpu.memory_space<hbm>> -> memref<256xi32, #tpu.memory_space<hbm>>
    %dma_start3A_252 = arith.constant 256 : i32
    %dma_start3A_253 = tpu.memref_slice %arg4[%arg1, %dma_start3A_252] : memref<16x512xi32, #tpu.memory_space<hbm>> -> memref<1x256xi32, #tpu.memory_space<hbm>>
    %dma_start3A_254 = tpu.memref_squeeze %dma_start3A_253 : memref<1x256xi32, #tpu.memory_space<hbm>> -> memref<256xi32, #tpu.memory_space<hbm>>
    %dma_start3A_255 = arith.constant 256 : i32
    %dma_start3A_256 = tpu.memref_slice %arg8[%dma_start3A_255] : memref<512xi32, #tpu.memory_space<vmem>> -> memref<256xi32, #tpu.memory_space<vmem>>
    tpu.enqueue_dma source(%dma_start3A_256 : memref<256xi32, #tpu.memory_space<vmem>>) target(%dma_start3A_254 : memref<256xi32, #tpu.memory_space<hbm>>) target_semaphore(%arg13 : memref<!tpu.dma_semaphore, #tpu.memory_space<semaphore_mem>>)
    %dma_wait3A_257 = arith.constant 0 : i32
    %dma_wait3A_258 = tpu.memref_slice %arg8[%dma_wait3A_257] : memref<512xi32, #tpu.memory_space<vmem>> -> memref<256xi32, #tpu.memory_space<vmem>>
    %dma_wait3A_259 = arith.constant 0 : i32
    %dma_wait3A_260 = tpu.memref_slice %arg4[%arg1, %dma_wait3A_259] : memref<16x512xi32, #tpu.memory_space<hbm>> -> memref<1x256xi32, #tpu.memory_space<hbm>>
    %dma_wait3A_261 = tpu.memref_squeeze %dma_wait3A_260 : memref<1x256xi32, #tpu.memory_space<hbm>> -> memref<256xi32, #tpu.memory_space<hbm>>
    %dma_wait3A_262 = arith.constant 0 : i32
    %dma_wait3A_263 = tpu.memref_slice %arg4[%arg1, %dma_wait3A_262] : memref<16x512xi32, #tpu.memory_space<hbm>> -> memref<1x256xi32, #tpu.memory_space<hbm>>
    %dma_wait3A_264 = tpu.memref_squeeze %dma_wait3A_263 : memref<1x256xi32, #tpu.memory_space<hbm>> -> memref<256xi32, #tpu.memory_space<hbm>>
    %dma_wait3A_265 = arith.constant 0 : i32
    %dma_wait3A_266 = tpu.memref_slice %arg8[%dma_wait3A_265] : memref<512xi32, #tpu.memory_space<vmem>> -> memref<256xi32, #tpu.memory_space<vmem>>
    tpu.wait_dma2 semaphore(%arg13 : memref<!tpu.dma_semaphore, #tpu.memory_space<semaphore_mem>>) src(%dma_wait3A_266 : memref<256xi32, #tpu.memory_space<vmem>>) dst(%dma_wait3A_264 : memref<256xi32, #tpu.memory_space<hbm>>)
    %dma_wait3A_267 = arith.constant 256 : i32
    %dma_wait3A_268 = tpu.memref_slice %arg8[%dma_wait3A_267] : memref<512xi32, #tpu.memory_space<vmem>> -> memref<256xi32, #tpu.memory_space<vmem>>
    %dma_wait3A_269 = arith.constant 256 : i32
    %dma_wait3A_270 = tpu.memref_slice %arg4[%arg1, %dma_wait3A_269] : memref<16x512xi32, #tpu.memory_space<hbm>> -> memref<1x256xi32, #tpu.memory_space<hbm>>
    %dma_wait3A_271 = tpu.memref_squeeze %dma_wait3A_270 : memref<1x256xi32, #tpu.memory_space<hbm>> -> memref<256xi32, #tpu.memory_space<hbm>>
    %dma_wait3A_272 = arith.constant 256 : i32
    %dma_wait3A_273 = tpu.memref_slice %arg4[%arg1, %dma_wait3A_272] : memref<16x512xi32, #tpu.memory_space<hbm>> -> memref<1x256xi32, #tpu.memory_space<hbm>>
    %dma_wait3A_274 = tpu.memref_squeeze %dma_wait3A_273 : memref<1x256xi32, #tpu.memory_space<hbm>> -> memref<256xi32, #tpu.memory_space<hbm>>
    %dma_wait3A_275 = arith.constant 256 : i32
    %dma_wait3A_276 = tpu.memref_slice %arg8[%dma_wait3A_275] : memref<512xi32, #tpu.memory_space<vmem>> -> memref<256xi32, #tpu.memory_space<vmem>>
    tpu.wait_dma2 semaphore(%arg13 : memref<!tpu.dma_semaphore, #tpu.memory_space<semaphore_mem>>) src(%dma_wait3A_276 : memref<256xi32, #tpu.memory_space<vmem>>) dst(%dma_wait3A_274 : memref<256xi32, #tpu.memory_space<hbm>>)
    %dma_wait3A_277 = arith.constant 0 : i32
    %dma_wait3A_278 = tpu.memref_slice %arg5[%arg1, %dma_wait3A_277] : memref<16x512xi32, #tpu.memory_space<hbm>> -> memref<1x512xi32, #tpu.memory_space<hbm>>
    %dma_wait3A_279 = tpu.memref_squeeze %dma_wait3A_278 : memref<1x512xi32, #tpu.memory_space<hbm>> -> memref<512xi32, #tpu.memory_space<hbm>>
    %dma_wait3A_280 = arith.constant 0 : i32
    %dma_wait3A_281 = tpu.memref_slice %arg5[%arg1, %dma_wait3A_280] : memref<16x512xi32, #tpu.memory_space<hbm>> -> memref<1x512xi32, #tpu.memory_space<hbm>>
    %dma_wait3A_282 = tpu.memref_squeeze %dma_wait3A_281 : memref<1x512xi32, #tpu.memory_space<hbm>> -> memref<512xi32, #tpu.memory_space<hbm>>
    tpu.wait_dma2 semaphore(%arg12 : memref<!tpu.dma_semaphore, #tpu.memory_space<semaphore_mem>>) src(%arg9 : memref<512xi32, #tpu.memory_space<vmem>>) dst(%dma_wait3A_282 : memref<512xi32, #tpu.memory_space<hbm>>)
    return
  }
}

</mosaic_0001>

<sc_bundles>
// kernel: kernel.3.cloned.1.call-start
scs
__scs_entry_jumppad:
0x0: {  	(pc) =	sbr.rel $0x88, $3  }
0x1: {  	(tag) =	ssettag $0x0;
	lr =	simm.s32 $0x1  }
0x2: {  	[smem:$0x3F9F] =	sst lr;
	_ =	strace $0xD0000000  }
0x3: {  	_ = 	snop  }
0x4: {  	_ = 	snop  }
0x5: {  	_ = 	snop  }
0x6: {  	_ = 	snop  }
0x7: {  	_ = 	snop  }
__scs_overlays_trampoline_lowered:
0x8: {  	[smem:$0x3FAE] =	sst s0  }
0x9: {  	[smem:$0x3FAF] =	sst s1  }
0xa: {  	[smem:$0x3FB0] =	sst s2  }
0xb: {  	[smem:$0x3FB1] =	sst s3  }
0xc: {  	[smem:$0x3FB2] =	sst s4  }
0xd: {  	[smem:$0x3FB3] =	sst s5  }
0xe: {  	[smem:$0x3FB4] =	sst s6  }
0xf: {  	[smem:$0x3FB5] =	sst s7  }
0x10: {  	[smem:$0x3FB6] =	sst s8  }
0x11: {  	[smem:$0x3FB7] =	sst s9;
	s0 =	simm.s32 @!p0 $0x0  }
0x12: {  	s1 =	sld [smem:$0x3F9D];
	s0 =	simm.s32 @p0 $0x1  }
0x13: {  	[smem:$0x3FB8] =	sst s0;
	s0 =	simm.s32 @!p1 $0x0  }
0x14: {  	s2 =	sld [smem:$0x3F9C];
	s0 =	simm.s32 @p1 $0x1  }
0x15: {  	[smem:$0x3FB9] =	sst s0;
	s0 =	simm.s32 @!p2 $0x0  }
0x16: {  	s3 =	sld [smem:$0x3FDB];
	s0 =	simm.s32 @p2 $0x1  }
0x17: {  	s4 =	simm.s32 $0x1BF5;
	[smem:$0x3FBB] =	sst s0  }
0x18: {  	s0 =	sld [smem:$0x3F9E];
	_ =	swait.ge [sflag:s4], $0x0  }
0x19: {  	s7 =	sld [smem:$0x3F9F]  }
0x1a: {  	s8 =	sadd.s32 $0xFFFFE003, lr  }
0x1b: {  	s9 =	sadd.s32 $0xFFFFFEF7, lr;
	s5 =	simm.s32 $0xFFFFFFFF;
	p2 =	slt.u32 s8, $0xFFFFF086  }
0x1c: {  	p1 =	slt.u32 s9, $0xF7A;
	s5 =	simm.s32 @!p2 $0x0  }
0x1d: {  	s5 =	simm.s32 @p1 $0x1;
	p0 =	seq.s32 s7, s2  }
0x1e: {  	s7 =	smul.u32 @!p0 $0xF7A, s2;
	p2 =	seq.s32 @!p0 s5, $0x0  }
0x1f: {  	s9 =	smul.u32 $0xF7A, s1;
	s8 =	simm.s32 @!p0 $0x1BF5;
	p2 =	por !p2, p0  }
0x20: {  	[sflag:s8] =	ssyncset.s32 @!p0 $0xFFFFF086;
	s6 =	sadd.s32 @!p0 s3, s7;
	s7 =	simm.s32 @!p0 $0x108  }
0x21: {  	s3 =	sadd.s32 s3, s9;
	s6 =	sadd.s32 @!p0 $0x88, s6;
	s7 =	simm.s32 @p2 $0x1082  }
0x22: {  	[simem:s7], [sflag:s8] =	dma.local @!p0 [hbm:s6], $0xF7A  }
0x23: {  	s9 =	sor.u32 $0xD0000000, s2;
	s6 =	simm.s32 $0x108;
	_ =	swait.ge @!p0 [sflag:s8], $0x0  }
0x24: {  	s3 =	sadd.s32 $0x88, s3;
	s6 =	simm.s32 @!p1 $0x1082;
	[sflag:s4] =	ssyncset.s32 $0xFFFFF086  }
0x25: {  	[simem:s6], [sflag:s4] =	dma.local [hbm:s3], $0xF7A  }
0x26: {  	[smem:$0x3F9F] =	sst s1;
	(tag) =	ssettag s2;
	_ =	strace s9  }
0x27: {  	s1 =	sld [smem:$0x3FAF]  }
0x28: {  	s2 =	sld [smem:$0x3FB0]  }
0x29: {  	s4 =	sld [smem:$0x3FB2]  }
0x2a: {  	p0 =	seq.s32 s5, $0x0;
	s5 =	sld [smem:$0x3FB3]  }
0x2b: {  	s6 =	sld [smem:$0x3FB4]  }
0x2c: {  	s7 =	sld [smem:$0x3FB5]  }
0x2d: {  	s3 =	simm.s32 $0x108;
	s8 =	sld [smem:$0x3FB6]  }
0x2e: {  	s3 =	simm.s32 @!p0 $0x1082;
	s9 =	sld [smem:$0x3FB7]  }
0x2f: {  	lr =	sadd.s32 s0, s3;
	s0 =	sld [smem:$0x3FAE]  }
0x30: {  	s3 =	sld [smem:$0x3FB1]  }
0x31: {  	[smem:$0x3FBA] =	sst s10  }
0x32: {  	s10 =	sld [smem:$0x3FB8];
	_ =	sdelay $0x3  }
0x33: {  	p0 =	seq.s32 s10, $0x1;
	s10 =	sld [smem:$0x3FBA];
	_ =	sdelay $0x3  }
0x34: {  	[smem:$0x3FBA] =	sst s10  }
0x35: {  	s10 =	sld [smem:$0x3FB9];
	_ =	sdelay $0x3  }
0x36: {  	p1 =	seq.s32 s10, $0x1;
	s10 =	sld [smem:$0x3FBA];
	_ =	sdelay $0x3  }
0x37: {  	[smem:$0x3FBA] =	sst s10  }
0x38: {  	s10 =	sld [smem:$0x3FBB]  }
0x39: {  	_ = 	snop;
	(pc) =	sbr.ind lr, $3  }
0x3a: {  	_ = 	snop  }
0x3b: {  	_ = 	snop  }
0x3c: {  	p2 =	seq.s32 s10, $0x1;
	s10 =	sld [smem:$0x3FBA]  }
0x3d: {  	_ =	shalt  }
0x3e: {  	_ =	shalt  }
0x3f: {  	_ =	shalt  }
0x40: {  	_ =	shalt  }
0x41: {  	_ =	shalt  }
0x42: {  	_ =	shalt  }
0x43: {  	_ =	shalt  }
0x44: {  	_ =	shalt  }
0x45: {  	_ =	shalt  }
0x46: {  	_ =	shalt  }
0x47: {  	_ =	shalt  }
0x48: {  	_ =	shalt  }
0x49: {  	_ =	shalt  }
0x4a: {  	_ =	shalt  }
0x4b: {  	_ =	shalt  }
0x4c: {  	_ =	shalt  }
0x4d: {  	_ =	shalt  }
0x4e: {  	_ =	shalt  }
0x4f: {  	_ =	shalt  }
0x50: {  	_ =	shalt  }
0x51: {  	_ =	shalt  }
0x52: {  	_ =	shalt  }
0x53: {  	_ =	shalt  }
0x54: {  	_ =	shalt  }
0x55: {  	_ =	shalt  }
0x56: {  	_ =	shalt  }
0x57: {  	_ =	shalt  }
0x58: {  	_ =	shalt  }
0x59: {  	_ =	shalt  }
0x5a: {  	_ =	shalt  }
0x5b: {  	_ =	shalt  }
0x5c: {  	_ =	shalt  }
0x5d: {  	_ =	shalt  }
0x5e: {  	_ =	shalt  }
0x5f: {  	_ =	shalt  }
0x60: {  	_ =	shalt  }
0x61: {  	_ =	shalt  }
0x62: {  	_ =	shalt  }
0x63: {  	_ =	shalt  }
0x64: {  	_ =	shalt  }
0x65: {  	_ =	shalt  }
0x66: {  	_ =	shalt  }
0x67: {  	_ =	shalt  }
0x68: {  	_ =	shalt  }
0x69: {  	_ =	shalt  }
0x6a: {  	_ =	shalt  }
0x6b: {  	_ =	shalt  }
0x6c: {  	_ =	shalt  }
0x6d: {  	_ =	shalt  }
0x6e: {  	_ =	shalt  }
0x6f: {  	_ =	shalt  }
0x70: {  	_ =	shalt  }
0x71: {  	_ =	shalt  }
0x72: {  	_ =	shalt  }
0x73: {  	_ =	shalt  }
0x74: {  	_ =	shalt  }
0x75: {  	_ =	shalt  }
0x76: {  	_ =	shalt  }
0x77: {  	_ =	shalt  }
0x78: {  	_ =	shalt  }
0x79: {  	_ =	shalt  }
0x7a: {  	_ =	shalt  }
0x7b: {  	_ =	shalt  }
0x7c: {  	_ =	shalt  }
0x7d: {  	_ =	shalt  }
0x7e: {  	_ =	shalt  }
0x7f: {  	_ =	shalt  }
0x80: {  	_ =	shalt  }
0x81: {  	_ =	shalt  }
0x82: {  	_ =	shalt  }
0x83: {  	_ =	shalt  }
0x84: {  	_ =	shalt  }
0x85: {  	_ =	shalt  }
0x86: {  	_ =	shalt  }
0x87: {  	_ =	shalt  }
.Lfunc_end0:
.L_simem_size_0:
called_computation_lowered:
.L_overlay_start_0:
0x88: {  	s0 =	sld [smem:$0x3FD9]  }
0x89: {  	s1 =	sld [smem:$0x3FFE];
	_ =	sdelay $0x3  }
0x8a: {  	s0 =	sadd.s32 s1, s0  }
0x8b: {  	[smem:$0x3FC6] =	sst s0  }
0x8c: {  	_ = 	snop  }
0x8d: {  	s0 =	sld [smem:$0x3FD0];
	_ =	sdelay $0x1  }
0x8e: {  	s14 =	sld [smem:$0x3FC9]  }
0x8f: {  	s3 =	simm.s32 $0xA;
	s4 =	simm.s32 $0x10;
	s2 =	sld [smem:$0x3FC8]  }
0x90: {  	[smem:s4], [sflag:s3] =	dma.local [hbm:s0], $0x1  }
0x91: {  	_ =	swait.eq [sflag:s3], $0x1  }
0x92: {  	[sflag:s3] =	ssyncset.done $0x0  }
0x93: {  	s15 =	sld [smem:$0x10];
	[sflag:s3] =	ssyncadd.s32 $0xFFFFFFFF  }
0x94: {  	s16 =	sld [smem:$0x11];
	(tm) =	ssettm $0x1  }
0x95: {  	s17 =	sld [smem:$0x3FFB];
	_ =	sdelay $0x3  }
0x96: {  	_ =	strace s17  }
0x97: {  	s4 =	sld [smem:$0x3FFC];
	_ =	sdelay $0x3  }
0x98: {  	_ =	strace s4  }
0x99: {  	s4 =	sld [smem:$0x3FFD];
	_ =	sdelay $0x3  }
0x9a: {  	_ =	strace s4  }
0x9b: {  	_ =	strace $0x8FFFFFFF  }
0x9c: {  	s18 =	sld [smem:$0x3FDB];
	_ =	sdelay $0x1  }
0x9d: {  	s5 =	simm.s32 $_scs_section_size  }
0x9e: {  	s6 =	simm.s32 $_size__tile_overlayer_lowered;
	s7 =	simm.s32 $_tile_overlayer_lowered  }
0x9f: {  	s21 =	simm.s32 $0x1BFF;
	s20 =	sshll.u32 s7, $0x1;
	s4 =	sadd.s32 s5, s18  }
0xa0: {  	s8 =	simm.s32 $0x0;
	s19 =	sshll.u32 s6, $0x1;
	s6 =	sadd.s32 s20, s4  }
0xa1: {  	[timem:s8], [sflag:s21] =	dma.local [hbm:s6], s19  }
0xa2: {  	_ =	swait.ge [sflag:s21], s19  }
0xa3: {  	s5 =	ssub.s32 $0x0, s19;
	[sflag:s21] =	ssyncset.done $0x0  }
0xa4: {  	[sflag:s21] =	ssyncadd.s32 s5;
	_ =	sdelay $0x1  }
0xa5: {  	s22 =	simm.s32 $0x1B8B  }
0xa6: {  	_ =	swait.ge [sflag:s22], $0x1  }
0xa7: {  	[sflag:s22] =	ssyncset.done $0x0  }
0xa8: {  	s23 =	simm.s32 $0x1B8E;
	[sflag:s22] =	ssyncadd.s32 $0xFFFFFFFF  }
0xa9: {  	s24 =	simm.s32 $execute0_lowered;
	[smem:$0x3FD2] =	sst s23  }
0xaa: {  	s5 =	sshll.u32 s24, $0x1;
	_ =	strace $0x80000046;
	[dreg:$0x1] =	wrdreg $0xFFFFFFFF  }
0xab: {  	s25 =	simm.s32 $_size_execute0_lowered;
	s4 =	sadd.s32 s4, s5;
	[dreg:$0x0] =	wrdreg $0x0  }
0xac: {  	s5 =	sshll.u32 s25, $0x1;
	[dreg:$0x2] =	wrdreg s4  }
0xad: {  	[dreg:$0x3] =	wrdreg s5  }
0xae: {  	[dreg:$0x4] =	wrdreg $0xC0  }
0xaf: {  	_ =	task [dreg:s8], $0x5FFFF  }
0xb0: {  	[dreg:$0x1] =	wrdreg $0xFFFFFFFF  }
0xb1: {  	[dreg:$0x0] =	wrdreg $0x60  }
0xb2: {  	[dreg:$0x2] =	wrdreg s14  }
0xb3: {  	[dreg:$0x3] =	wrdreg s2  }
0xb4: {  	[dreg:$0x4] =	wrdreg s15  }
0xb5: {  	[dreg:$0x5] =	wrdreg s16  }
0xb6: {  	[dreg:$0x6] =	wrdreg $0x9  }
0xb7: {  	_ =	task.clear_ibuf [dreg:s8], $0x7FFFF;
	_ =	strace $0x90000046  }
0xb8: {  	s26 =	simm.s32 $0x9;
	_ =	strace $0x80000048  }
0xb9: {  	_ =	swait.ge [sflag:s26], $0x1  }
0xba: {  	[sflag:s26] =	ssyncadd.s32 $0xFFFFFFFF  }
0xbb: {  	_ =	strace $0x90000048  }
0xbc: {  	_ =	sfence  }
0xbd: {  	s28 =	sld [smem:$0x0];
	_ =	sdelay $0x1  }
0xbe: {  	s29 =	srdreg.scid  }
0xbf: {  	s30 =	sshll.u32 s29, $0xD;
	s31 =	sshrl.u32 s29, $0x2  }
0xc0: {  	s1 =	sand.u32 $0x1, s29;
	s2 =	sand.u32 $0x4000, s30;
	s0 =	sadd.s32 s31, s28  }
0xc1: {  	s1 =	sor.u32 s2, s1;
	s0 =	sshll.u32 s0, $0x11  }
0xc2: {  	s0 =	sor.u32 s0, s1  }
0xc3: {  	s0 =	sadd.s32 $0x8F2B, s0  }
0xc4: {  	[sflag:s0] =	ssyncadd.remote.s32 $0x1  }
0xc5: {  	_ =	sfence.sel $0xFFFF  }
0xc6: {  	[dreg:$0x0] =	wrdreg $0xFFFFFFFF;
	(pc) =	sbr.abs _section_cstart, $3  }
0xc7: {  	[dreg:$0x1] =	wrdreg $0xFFFFFFFF  }
0xc8: {  	_ =	task.clear_ibuf [dreg:s8], $0x2FFFF;
	_ =	strace $0x9FFFFFFF  }
0xc9: {  	(tm) =	ssettm $0x7FFFFFFF  }
tec
execute0_lowered:
.L_overlay_start_1:
0x0: {  	(tag) =	ssettag $0x1  }
0x1: {  	s2 =	rddreg [dreg:$0x0]  }
0x2: {  	s3 =	rddreg [dreg:$0x1]  }
0x3: {  	s5 =	rddreg [dreg:$0x2]  }
0x4: {  	s4 =	rddreg [dreg:$0x3];
	s1 =	simm.s32 $0x0  }
0x5: {  	[smem:$0x7FF] =	sst s1  }
0x6: {  	s0 =	rddreg [dreg:$0x4];
	s6 =	simm.s32 $0x1280;
	_ =	strace $0x80000047  }
0x7: {  	[tilespmem:s6], [sflag:$0x1] =	stream.linear.gather [hbm4b:s3+s1], $0x1000, $0x38;
	[tilespmem:$0x2680] =	vst v63  }
0x8: {  	s14 =	simm.s32 $0x8  }
0x9: {  	v0 =	vimm.s32 $0x0;
	[tilespmem:s14], [sflag:$0x2] =	stream.linear.gather [hbm4b:s2+s1], $0x1000, $0x38;
	[tilespmem:$0x2680] =	vst v63  }
0xa: {  	[tilespmem:$0x2480] =	vst v0  }
0xb: {  	[tilespmem:$0x2490] =	vst v0  }
0xc: {  	[tilespmem:$0x24A0] =	vst v0  }
0xd: {  	[tilespmem:$0x24B0] =	vst v0  }
0xe: {  	[tilespmem:$0x24C0] =	vst v0  }
0xf: {  	[tilespmem:$0x24D0] =	vst v0  }
0x10: {  	[tilespmem:$0x24E0] =	vst v0  }
0x11: {  	[tilespmem:$0x24F0] =	vst v0  }
0x12: {  	[tilespmem:$0x2500] =	vst v0  }
0x13: {  	[tilespmem:$0x2510] =	vst v0  }
0x14: {  	[tilespmem:$0x2520] =	vst v0  }
0x15: {  	[tilespmem:$0x2530] =	vst v0  }
0x16: {  	[tilespmem:$0x2540] =	vst v0  }
0x17: {  	[tilespmem:$0x2550] =	vst v0  }
0x18: {  	[tilespmem:$0x2560] =	vst v0  }
0x19: {  	[tilespmem:$0x2570] =	vst v0  }
0x1a: {  	[tilespmem:$0x2580] =	vst v0  }
0x1b: {  	[tilespmem:$0x2590] =	vst v0  }
0x1c: {  	[tilespmem:$0x25A0] =	vst v0  }
0x1d: {  	[tilespmem:$0x25B0] =	vst v0  }
0x1e: {  	[tilespmem:$0x25C0] =	vst v0  }
0x1f: {  	[tilespmem:$0x25D0] =	vst v0  }
0x20: {  	[tilespmem:$0x25E0] =	vst v0  }
0x21: {  	[tilespmem:$0x25F0] =	vst v0  }
0x22: {  	[tilespmem:$0x2600] =	vst v0  }
0x23: {  	[tilespmem:$0x2610] =	vst v0  }
0x24: {  	[tilespmem:$0x2620] =	vst v0  }
0x25: {  	s15 =	stileid.u32;
	[tilespmem:$0x2630] =	vst v0  }
0x26: {  	v1 =	vlaneseq.u32;
	s16 =	sshll.u32 s15, $0x6;
	s7 =	sshll.u32 s15, $0x4;
	[tilespmem:$0x2640] =	vst v0  }
0x27: {  	v2 =	vmul.u32 $0x100, v1;
	s7 =	sand.u32 $0x70, s7;
	s3 =	sand.u32 $0x200, s16;
	[tilespmem:$0x2650] =	vst v0  }
0x28: {  	s17 =	simm.s32 $0x80;
	s18 =	simm.s32 $0x400;
	s7 =	sor.u32 s7, s3;
	[tilespmem:$0x2660] =	vst v0  }
0x29: {  	s9 =	simm.s32 $0x2480;
	s19 =	simm.s32 $0x1;
	v2 =	vor.u32 $0xFF, v2;
	s8 =	sadd.s32 s4, s7;
	[tilespmem:$0x2670] =	vst v0  }
0x2a: {  	[hbm4b:s8+s17] =	stream.strided.scatter [tilespmem:s9], [sflag:$0x3], $0x200, s18, s17, $0x38;
	[tilespmem:$0x2680] =	vst v63  }
0x2b: {  	_ =	swait.ge [sflag:s19], $0x1000  }
0x2c: {  	[sflag:s19] =	ssyncset.done $0x0  }
0x2d: {  	[sflag:s19] =	ssyncadd.s32 $0xFFFFF000  }
0x2e: {  	v2 =	vld.idx.msk [tilespmem:v2+s6+$0x0], $0xffff;
	_ =	sdelay $0x4  }
0x2f: {  	vm0 =	vlt.s32 v2, s15  }
0x30: {  	v3 =	vsel vm0, $0x1, v0  }
0x31: {  	(xrf0) =	vadd.scan.msk.s32 $0xffff, v3;
	_ =	sdelay $0x5  }
0x32: {  	v3, _, _ =	vpop (xrf0)  }
0x33: {  	(v2sf) =	vpush v3, $0xF;
	_ =	sdelay $0xd  }
0x34: {  	v12 =	vmul.u32 $0x10, v1  }
0x35: {  	s20 =	spop (v2sf)  }
0x36: {  	v3 =	vor.u32 $0xF, v12;
	s8 =	sshll.u32 s20, $0x8  }
0x37: {  	v4 =	vor.u32 s8, v3  }
0x38: {  	vm11 =	vgt.s32 v4, $0x0  }
0x39: {  	v5 =	vnsel vm11, $0x0, v4  }
0x3a: {  	v5 =	vmin.u32 v5, $0xFFF;
	_ =	sdelay $0x4  }
0x3b: {  	v5 =	vld.idx.msk [tilespmem:v5+s6+$0x0], $0xffff;
	_ =	sdelay $0x4  }
0x3c: {  	vm1 =	vlt.s32 v4, $0x1000;
	vm12 =	vlt.s32 v5, s15  }
0x3d: {  	vm0 =	vmand vm12, vm1  }
0x3e: {  	v13 =	vsel vm0, $0x1, v0  }
0x3f: {  	(xrf0) =	vadd.scan.msk.s32 $0xffff, v13;
	_ =	sdelay $0x5  }
0x40: {  	v4, _, _ =	vpop (xrf0)  }
0x41: {  	(v2sf) =	vpush v4, $0xF;
	_ =	sdelay $0xe  }
0x42: {  	s21 =	spop (v2sf)  }
0x43: {  	s9 =	sshll.u32 s21, $0x4  }
0x44: {  	s8 =	sadd.s32 s8, s9  }
0x45: {  	v14 =	vor.u32 s8, v1  }
0x46: {  	vm13 =	vgt.s32 v14, $0x0  }
0x47: {  	v15 =	vnsel vm13, $0x0, v14  }
0x48: {  	v5 =	vmin.u32 v15, $0xFFF;
	_ =	sdelay $0x4  }
0x49: {  	v5 =	vld.idx.msk [tilespmem:v5+s6+$0x0], $0xffff;
	_ =	sdelay $0x4  }
0x4a: {  	vm15 =	vlt.s32 v14, $0x1000;
	vm14 =	vlt.s32 v5, s15  }
0x4b: {  	s22 =	sadd.s32 $0x1, s15;
	vm0 =	vmand vm14, vm15  }
0x4c: {  	vm4 =	vlt.s32 v2, s22;
	v16 =	vsel vm0, $0x1, v0  }
0x4d: {  	v2 =	vsel vm4, $0x1, v0;
	(xrf0) =	vadd.scan.msk.s32 $0xffff, v16  }
0x4e: {  	(xrf0) =	vadd.scan.msk.s32 $0xffff, v2;
	_ =	sdelay $0x4  }
0x4f: {  	v17, _, _ =	vpop (xrf0)  }
0x50: {  	(v2sf) =	vpush v17, $0xF;
	v18, _, _ =	vpop (xrf0)  }
0x51: {  	(v2sf) =	vpush v18, $0xF;
	_ =	sdelay $0xd  }
0x52: {  	s10 =	spop (v2sf)  }
0x53: {  	s11 =	spop (v2sf)  }
0x54: {  	s11 =	sshll.u32 s11, $0x8  }
0x55: {  	v19 =	vor.u32 s11, v3  }
0x56: {  	vm5 =	vgt.s32 v19, $0x0  }
0x57: {  	v3 =	vnsel vm5, $0x0, v19  }
0x58: {  	v3 =	vmin.u32 v3, $0xFFF;
	_ =	sdelay $0x4  }
0x59: {  	v3 =	vld.idx.msk [tilespmem:v3+s6+$0x0], $0xffff;
	_ =	sdelay $0x4  }
0x5a: {  	vm7 =	vlt.s32 v19, $0x1000;
	vm6 =	vlt.s32 v3, s22  }
0x5b: {  	vm0 =	vmand vm6, vm7  }
0x5c: {  	v20 =	vsel vm0, $0x1, v0  }
0x5d: {  	(xrf0) =	vadd.scan.msk.s32 $0xffff, v20;
	_ =	sdelay $0x5  }
0x5e: {  	v2, _, _ =	vpop (xrf0)  }
0x5f: {  	(v2sf) =	vpush v2, $0xF;
	_ =	sdelay $0xe  }
0x60: {  	s12 =	spop (v2sf)  }
0x61: {  	s12 =	sshll.u32 s12, $0x4  }
0x62: {  	s11 =	sadd.s32 s11, s12  }
0x63: {  	v21 =	vor.u32 s11, v1  }
0x64: {  	vm8 =	vgt.s32 v21, $0x0  }
0x65: {  	v22 =	vnsel vm8, $0x0, v21  }
0x66: {  	v3 =	vmin.u32 v22, $0xFFF;
	_ =	sdelay $0x4  }
0x67: {  	v3 =	vld.idx.msk [tilespmem:v3+s6+$0x0], $0xffff;
	_ =	sdelay $0x4  }
0x68: {  	vm10 =	vlt.s32 v21, $0x1000;
	vm9 =	vlt.s32 v3, s22  }
0x69: {  	vm0 =	vmand vm9, vm10  }
0x6a: {  	v23 =	vsel vm0, $0x1, v0  }
0x6b: {  	(xrf0) =	vadd.scan.msk.s32 $0xffff, v23;
	_ =	sdelay $0x5  }
0x6c: {  	v2, _, _ =	vpop (xrf0)  }
0x6d: {  	(v2sf) =	vpush v2, $0xF;
	_ =	sdelay $0xc  }
0x6e: {  	v24 =	vadd.s32 $0x7, v1;
	s23 =	sadd.s32 s8, s10  }
0x6f: {  	v2 =	vadd.s32 s23, v24  }
0x70: {  	s25 =	simm.s32 $0x2;
	s24 =	spop (v2sf)  }
0x71: {  	_ =	swait.ge [sflag:s25], $0x1000  }
0x72: {  	[sflag:s25] =	ssyncset.done $0x0  }
0x73: {  	[sflag:s25] =	ssyncadd.s32 $0xFFFFF000  }
0x74: {  	s8 =	sadd.s32 s11, s24;
	v25 =	vld.idx.msk [tilespmem:v2+s1+$0x0], $0xffff  }
0x75: {  	v26 =	vadd.s32 $0x17, v1;
	s8 =	ssub.s32 s8, s23  }
0x76: {  	v27 =	vadd.s32 $0xFFFFFFFF, v1;
	v4 =	vadd.s32 s23, v26;
	v2 =	vmov s8  }
0x77: {  	vm11 =	veq.s32 v2, v27  }
0x78: {  	vm12 =	vgt.s32 v2, v27;
	v28 =	vsel vm11, $0x7532, v0  }
0x79: {  	v3 =	vsel vm12, v25, v28  }
0x7a: {  	[tilespmem:$0x2280] =	vst v3  }
0x7b: {  	v3 =	vld.idx.msk [tilespmem:v4+s1+$0x0], $0xffff  }
0x7c: {  	v29 =	vadd.s32 $0x27, v1  }
0x7d: {  	v30 =	vadd.s32 $0xF, v1;
	v4 =	vadd.s32 s23, v29  }
0x7e: {  	vm13 =	veq.s32 v2, v30  }
0x7f: {  	vm14 =	vgt.s32 v2, v30;
	v31 =	vsel vm13, $0x7532, v0  }
0x80: {  	v3 =	vsel vm14, v3, v31  }
0x81: {  	[tilespmem:$0x2290] =	vst v3  }
0x82: {  	v3 =	vld.idx.msk [tilespmem:v4+s1+$0x0], $0xffff  }
0x83: {  	v32 =	vadd.s32 $0x37, v1  }
0x84: {  	v33 =	vadd.s32 $0x1F, v1;
	v4 =	vadd.s32 s23, v32  }
0x85: {  	vm15 =	veq.s32 v2, v33  }
0x86: {  	vm4 =	vgt.s32 v2, v33;
	v34 =	vsel vm15, $0x7532, v0  }
0x87: {  	v3 =	vsel vm4, v3, v34  }
0x88: {  	[tilespmem:$0x22A0] =	vst v3  }
0x89: {  	v3 =	vld.idx.msk [tilespmem:v4+s1+$0x0], $0xffff  }
0x8a: {  	v35 =	vadd.s32 $0x47, v1  }
0x8b: {  	v36 =	vadd.s32 $0x2F, v1;
	v4 =	vadd.s32 s23, v35  }
0x8c: {  	vm5 =	veq.s32 v2, v36  }
0x8d: {  	vm6 =	vgt.s32 v2, v36;
	v37 =	vsel vm5, $0x7532, v0  }
0x8e: {  	v3 =	vsel vm6, v3, v37  }
0x8f: {  	[tilespmem:$0x22B0] =	vst v3  }
0x90: {  	v3 =	vld.idx.msk [tilespmem:v4+s1+$0x0], $0xffff  }
0x91: {  	v38 =	vadd.s32 $0x57, v1  }
0x92: {  	v39 =	vadd.s32 $0x3F, v1;
	v4 =	vadd.s32 s23, v38  }
0x93: {  	vm7 =	veq.s32 v2, v39  }
0x94: {  	vm8 =	vgt.s32 v2, v39;
	v40 =	vsel vm7, $0x7532, v0  }
0x95: {  	v3 =	vsel vm8, v3, v40  }
0x96: {  	[tilespmem:$0x22C0] =	vst v3  }
0x97: {  	v3 =	vld.idx.msk [tilespmem:v4+s1+$0x0], $0xffff  }
0x98: {  	v41 =	vadd.s32 $0x67, v1  }
0x99: {  	v42 =	vadd.s32 $0x4F, v1;
	v4 =	vadd.s32 s23, v41  }
0x9a: {  	vm9 =	veq.s32 v2, v42  }
0x9b: {  	vm10 =	vgt.s32 v2, v42;
	v43 =	vsel vm9, $0x7532, v0  }
0x9c: {  	v3 =	vsel vm10, v3, v43  }
0x9d: {  	[tilespmem:$0x22D0] =	vst v3  }
0x9e: {  	v3 =	vld.idx.msk [tilespmem:v4+s1+$0x0], $0xffff  }
0x9f: {  	v44 =	vadd.s32 $0x77, v1  }
0xa0: {  	v45 =	vadd.s32 $0x5F, v1;
	v4 =	vadd.s32 s23, v44  }
0xa1: {  	vm11 =	veq.s32 v2, v45  }
0xa2: {  	v46 =	vsel vm11, $0x7532, v0;
	vm12 =	vgt.s32 v2, v45  }
0xa3: {  	v3 =	vsel vm12, v3, v46  }
0xa4: {  	[tilespmem:$0x22E0] =	vst v3  }
0xa5: {  	v3 =	vld.idx.msk [tilespmem:v4+s1+$0x0], $0xffff  }
0xa6: {  	v47 =	vadd.s32 $0x87, v1  }
0xa7: {  	v48 =	vadd.s32 $0x6F, v1;
	v4 =	vadd.s32 s23, v47  }
0xa8: {  	vm13 =	veq.s32 v2, v48  }
0xa9: {  	v49 =	vsel vm13, $0x7532, v0;
	vm14 =	vgt.s32 v2, v48  }
0xaa: {  	v3 =	vsel vm14, v3, v49  }
0xab: {  	[tilespmem:$0x22F0] =	vst v3  }
0xac: {  	v3 =	vld.idx.msk [tilespmem:v4+s1+$0x0], $0xffff  }
0xad: {  	v50 =	vadd.s32 $0x97, v1  }
0xae: {  	v51 =	vadd.s32 $0x7F, v1;
	v4 =	vadd.s32 s23, v50  }
0xaf: {  	vm15 =	veq.s32 v2, v51  }
0xb0: {  	v52 =	vsel vm15, $0x7532, v0;
	vm4 =	vgt.s32 v2, v51  }
0xb1: {  	v3 =	vsel vm4, v3, v52  }
0xb2: {  	[tilespmem:$0x2300] =	vst v3  }
0xb3: {  	v3 =	vld.idx.msk [tilespmem:v4+s1+$0x0], $0xffff  }
0xb4: {  	v53 =	vadd.s32 $0xA7, v1  }
0xb5: {  	v54 =	vadd.s32 $0x8F, v1;
	v4 =	vadd.s32 s23, v53  }
0xb6: {  	vm5 =	veq.s32 v2, v54  }
0xb7: {  	v55 =	vsel vm5, $0x7532, v0;
	vm6 =	vgt.s32 v2, v54  }
0xb8: {  	v3 =	vsel vm6, v3, v55  }
0xb9: {  	[tilespmem:$0x2310] =	vst v3  }
0xba: {  	v3 =	vld.idx.msk [tilespmem:v4+s1+$0x0], $0xffff  }
0xbb: {  	v56 =	vadd.s32 $0xB7, v1  }
0xbc: {  	v57 =	vadd.s32 $0x9F, v1;
	v4 =	vadd.s32 s23, v56  }
0xbd: {  	vm7 =	veq.s32 v2, v57  }
0xbe: {  	v58 =	vsel vm7, $0x7532, v0;
	vm8 =	vgt.s32 v2, v57  }
0xbf: {  	v3 =	vsel vm8, v3, v58  }
0xc0: {  	[tilespmem:$0x2320] =	vst v3  }
0xc1: {  	v3 =	vld.idx.msk [tilespmem:v4+s1+$0x0], $0xffff  }
0xc2: {  	v59 =	vadd.s32 $0xC7, v1  }
0xc3: {  	v60 =	vadd.s32 $0xAF, v1;
	v4 =	vadd.s32 s23, v59  }
0xc4: {  	vm9 =	veq.s32 v2, v60  }
0xc5: {  	v61 =	vsel vm9, $0x7532, v0;
	vm10 =	vgt.s32 v2, v60  }
0xc6: {  	v3 =	vsel vm10, v3, v61  }
0xc7: {  	[tilespmem:$0x2330] =	vst v3  }
0xc8: {  	v3 =	vld.idx.msk [tilespmem:v4+s1+$0x0], $0xffff  }
0xc9: {  	v62 =	vadd.s32 $0xD7, v1  }
0xca: {  	v63 =	vadd.s32 $0xBF, v1;
	v4 =	vadd.s32 s23, v62  }
0xcb: {  	vm11 =	veq.s32 v2, v63  }
0xcc: {  	v8 =	vsel vm11, $0x7532, v0;
	vm12 =	vgt.s32 v2, v63  }
0xcd: {  	v3 =	vsel vm12, v3, v8  }
0xce: {  	[tilespmem:$0x2340] =	vst v3  }
0xcf: {  	v3 =	vld.idx.msk [tilespmem:v4+s1+$0x0], $0xffff  }
0xd0: {  	v9 =	vadd.s32 $0xE7, v1  }
0xd1: {  	v10 =	vadd.s32 $0xCF, v1;
	v4 =	vadd.s32 s23, v9  }
0xd2: {  	vm13 =	veq.s32 v2, v10  }
0xd3: {  	v11 =	vsel vm13, $0x7532, v0;
	vm14 =	vgt.s32 v2, v10  }
0xd4: {  	v3 =	vsel vm14, v3, v11  }
0xd5: {  	[tilespmem:$0x2350] =	vst v3  }
0xd6: {  	v3 =	vld.idx.msk [tilespmem:v4+s1+$0x0], $0xffff  }
0xd7: {  	v12 =	vadd.s32 $0xF7, v1  }
0xd8: {  	v13 =	vadd.s32 $0xDF, v1;
	v4 =	vadd.s32 s23, v12  }
0xd9: {  	vm15 =	veq.s32 v2, v13  }
0xda: {  	v14 =	vsel vm15, $0x7532, v0;
	vm4 =	vgt.s32 v2, v13  }
0xdb: {  	v3 =	vsel vm4, v3, v14  }
0xdc: {  	v15 =	vld [tilespmem:$0x2280];
	[tilespmem:$0x2360] =	vst v3  }
0xdd: {  	v3 =	vld.idx.msk [tilespmem:v4+s1+$0x0], $0xffff;
	_ =	sdelay $0x1  }
0xde: {  	v6 =	vadd.s32 $0x107, v1;
	v16 =	vadd.s32 $0xEF, v1  }
0xdf: {  	v6 =	vadd.s32 s23, v6;
	vm5 =	veq.s32 v2, v16;
	vm7 =	veq.s32 v1, $0x0  }
0xe0: {  	v17 =	vsel vm5, $0x7532, v0;
	v18 =	vsel vm7, $0x7531, v15;
	vm6 =	vgt.s32 v2, v16  }
0xe1: {  	[tilespmem:$0x2280] =	vst v18;
	v3 =	vsel vm6, v3, v17  }
0xe2: {  	s26 =	simm.s32 $0x2280;
	s5 =	sadd.s32 s5, s7;
	[tilespmem:$0x2370] =	vst v3  }
0xe3: {  	[hbm4b:s5+s17] =	stream.strided.scatter [tilespmem:s26], [sflag:$0x4], $0x100, s18, s17, $0x38;
	[tilespmem:$0x2680] =	vst v63  }
0xe4: {  	v3 =	vld.idx.msk [tilespmem:v6+s1+$0x0], $0xffff  }
0xe5: {  	v19 =	vadd.s32 $0x117, v1  }
0xe6: {  	v20 =	vadd.s32 $0xFF, v1;
	v4 =	vadd.s32 s23, v19  }
0xe7: {  	vm8 =	veq.s32 v2, v20  }
0xe8: {  	vm9 =	vgt.s32 v2, v20;
	v21 =	vsel vm8, $0x7532, v0  }
0xe9: {  	v3 =	vsel vm9, v3, v21  }
0xea: {  	[tilespmem:$0x2380] =	vst v3  }
0xeb: {  	v3 =	vld.idx.msk [tilespmem:v4+s1+$0x0], $0xffff  }
0xec: {  	v22 =	vadd.s32 $0x127, v1  }
0xed: {  	v23 =	vadd.s32 $0x10F, v1;
	v4 =	vadd.s32 s23, v22  }
0xee: {  	vm10 =	veq.s32 v2, v23  }
0xef: {  	vm11 =	vgt.s32 v2, v23;
	v24 =	vsel vm10, $0x7532, v0  }
0xf0: {  	v3 =	vsel vm11, v3, v24  }
0xf1: {  	[tilespmem:$0x2390] =	vst v3  }
0xf2: {  	v3 =	vld.idx.msk [tilespmem:v4+s1+$0x0], $0xffff  }
0xf3: {  	v25 =	vadd.s32 $0x137, v1  }
0xf4: {  	v26 =	vadd.s32 $0x11F, v1;
	v4 =	vadd.s32 s23, v25  }
0xf5: {  	vm12 =	veq.s32 v2, v26  }
0xf6: {  	vm13 =	vgt.s32 v2, v26;
	v27 =	vsel vm12, $0x7532, v0  }
0xf7: {  	v3 =	vsel vm13, v3, v27  }
0xf8: {  	[tilespmem:$0x23A0] =	vst v3  }
0xf9: {  	v3 =	vld.idx.msk [tilespmem:v4+s1+$0x0], $0xffff  }
0xfa: {  	v28 =	vadd.s32 $0x147, v1  }
0xfb: {  	v29 =	vadd.s32 $0x12F, v1;
	v4 =	vadd.s32 s23, v28  }
0xfc: {  	vm14 =	veq.s32 v2, v29  }
0xfd: {  	vm15 =	vgt.s32 v2, v29;
	v30 =	vsel vm14, $0x7532, v0  }
0xfe: {  	v3 =	vsel vm15, v3, v30  }
0xff: {  	[tilespmem:$0x23B0] =	vst v3  }
0x100: {  	v3 =	vld.idx.msk [tilespmem:v4+s1+$0x0], $0xffff  }
0x101: {  	v31 =	vadd.s32 $0x157, v1  }
0x102: {  	v32 =	vadd.s32 $0x13F, v1;
	v4 =	vadd.s32 s23, v31  }
0x103: {  	vm4 =	veq.s32 v2, v32  }
0x104: {  	vm5 =	vgt.s32 v2, v32;
	v33 =	vsel vm4, $0x7532, v0  }
0x105: {  	v3 =	vsel vm5, v3, v33  }
0x106: {  	[tilespmem:$0x23C0] =	vst v3  }
0x107: {  	v3 =	vld.idx.msk [tilespmem:v4+s1+$0x0], $0xffff  }
0x108: {  	v34 =	vadd.s32 $0x167, v1  }
0x109: {  	v35 =	vadd.s32 $0x14F, v1;
	v4 =	vadd.s32 s23, v34  }
0x10a: {  	vm6 =	veq.s32 v2, v35  }
0x10b: {  	vm7 =	vgt.s32 v2, v35;
	v36 =	vsel vm6, $0x7532, v0  }
0x10c: {  	v3 =	vsel vm7, v3, v36  }
0x10d: {  	[tilespmem:$0x23D0] =	vst v3  }
0x10e: {  	v3 =	vld.idx.msk [tilespmem:v4+s1+$0x0], $0xffff  }
0x10f: {  	v37 =	vadd.s32 $0x177, v1  }
0x110: {  	v38 =	vadd.s32 $0x15F, v1;
	v4 =	vadd.s32 s23, v37  }
0x111: {  	vm8 =	veq.s32 v2, v38  }
0x112: {  	v39 =	vsel vm8, $0x7532, v0;
	vm9 =	vgt.s32 v2, v38  }
0x113: {  	v3 =	vsel vm9, v3, v39  }
0x114: {  	[tilespmem:$0x23E0] =	vst v3  }
0x115: {  	v3 =	vld.idx.msk [tilespmem:v4+s1+$0x0], $0xffff  }
0x116: {  	v40 =	vadd.s32 $0x187, v1  }
0x117: {  	v41 =	vadd.s32 $0x16F, v1;
	v4 =	vadd.s32 s23, v40  }
0x118: {  	vm10 =	veq.s32 v2, v41  }
0x119: {  	v42 =	vsel vm10, $0x7532, v0;
	vm11 =	vgt.s32 v2, v41  }
0x11a: {  	v3 =	vsel vm11, v3, v42  }
0x11b: {  	[tilespmem:$0x23F0] =	vst v3  }
0x11c: {  	v3 =	vld.idx.msk [tilespmem:v4+s1+$0x0], $0xffff  }
0x11d: {  	v43 =	vadd.s32 $0x197, v1  }
0x11e: {  	v44 =	vadd.s32 $0x17F, v1;
	v4 =	vadd.s32 s23, v43  }
0x11f: {  	vm12 =	veq.s32 v2, v44  }
0x120: {  	v45 =	vsel vm12, $0x7532, v0;
	vm13 =	vgt.s32 v2, v44  }
0x121: {  	v3 =	vsel vm13, v3, v45  }
0x122: {  	[tilespmem:$0x2400] =	vst v3  }
0x123: {  	v3 =	vld.idx.msk [tilespmem:v4+s1+$0x0], $0xffff  }
0x124: {  	v46 =	vadd.s32 $0x1A7, v1  }
0x125: {  	v47 =	vadd.s32 $0x18F, v1;
	v4 =	vadd.s32 s23, v46  }
0x126: {  	vm14 =	veq.s32 v2, v47  }
0x127: {  	v48 =	vsel vm14, $0x7532, v0;
	vm15 =	vgt.s32 v2, v47  }
0x128: {  	v3 =	vsel vm15, v3, v48  }
0x129: {  	[tilespmem:$0x2410] =	vst v3  }
0x12a: {  	v3 =	vld.idx.msk [tilespmem:v4+s1+$0x0], $0xffff  }
0x12b: {  	v49 =	vadd.s32 $0x1B7, v1  }
0x12c: {  	v50 =	vadd.s32 $0x19F, v1;
	v4 =	vadd.s32 s23, v49  }
0x12d: {  	vm4 =	veq.s32 v2, v50  }
0x12e: {  	v51 =	vsel vm4, $0x7532, v0;
	vm5 =	vgt.s32 v2, v50  }
0x12f: {  	v3 =	vsel vm5, v3, v51  }
0x130: {  	[tilespmem:$0x2420] =	vst v3  }
0x131: {  	v3 =	vld.idx.msk [tilespmem:v4+s1+$0x0], $0xffff  }
0x132: {  	v52 =	vadd.s32 $0x1C7, v1  }
0x133: {  	v53 =	vadd.s32 $0x1AF, v1;
	v4 =	vadd.s32 s23, v52  }
0x134: {  	vm6 =	veq.s32 v2, v53  }
0x135: {  	v54 =	vsel vm6, $0x7532, v0;
	vm7 =	vgt.s32 v2, v53  }
0x136: {  	v3 =	vsel vm7, v3, v54  }
0x137: {  	[tilespmem:$0x2430] =	vst v3  }
0x138: {  	v3 =	vld.idx.msk [tilespmem:v4+s1+$0x0], $0xffff  }
0x139: {  	v55 =	vadd.s32 $0x1D7, v1  }
0x13a: {  	v56 =	vadd.s32 $0x1BF, v1;
	v4 =	vadd.s32 s23, v55  }
0x13b: {  	vm8 =	veq.s32 v2, v56  }
0x13c: {  	v57 =	vsel vm8, $0x7532, v0;
	vm9 =	vgt.s32 v2, v56  }
0x13d: {  	v3 =	vsel vm9, v3, v57  }
0x13e: {  	[tilespmem:$0x2440] =	vst v3  }
0x13f: {  	v3 =	vld.idx.msk [tilespmem:v4+s1+$0x0], $0xffff  }
0x140: {  	v58 =	vadd.s32 $0x1E7, v1  }
0x141: {  	v59 =	vadd.s32 $0x1CF, v1;
	v4 =	vadd.s32 s23, v58  }
0x142: {  	vm10 =	veq.s32 v2, v59  }
0x143: {  	v60 =	vsel vm10, $0x7532, v0;
	vm11 =	vgt.s32 v2, v59  }
0x144: {  	v3 =	vsel vm11, v3, v60  }
0x145: {  	[tilespmem:$0x2450] =	vst v3  }
0x146: {  	v3 =	vld.idx.msk [tilespmem:v4+s1+$0x0], $0xffff  }
0x147: {  	v61 =	vadd.s32 $0x1F7, v1  }
0x148: {  	v62 =	vadd.s32 $0x1DF, v1;
	v4 =	vadd.s32 s23, v61  }
0x149: {  	vm12 =	veq.s32 v2, v62  }
0x14a: {  	v63 =	vsel vm12, $0x7532, v0;
	vm13 =	vgt.s32 v2, v62  }
0x14b: {  	v3 =	vsel vm13, v3, v63  }
0x14c: {  	[tilespmem:$0x2460] =	vst v3  }
0x14d: {  	v3 =	vld.idx.msk [tilespmem:v4+s1+$0x0], $0xffff;
	_ =	sdelay $0x1  }
0x14e: {  	v1 =	vadd.s32 $0x1EF, v1  }
0x14f: {  	vm14 =	veq.s32 v2, v1  }
0x150: {  	v0 =	vsel vm14, $0x7532, v0;
	vm15 =	vgt.s32 v2, v1  }
0x151: {  	v0 =	vsel vm15, v3, v0  }
0x152: {  	s29 =	simm.s32 $0x2380;
	s30 =	simm.s32 $0x4;
	s28 =	sadd.s32 $0x100, s5;
	[tilespmem:$0x2470] =	vst v0  }
0x153: {  	[hbm4b:s28+s17] =	stream.strided.scatter [tilespmem:s29], [sflag:$0x4], $0x100, s18, s17, $0x38;
	[tilespmem:$0x2680] =	vst v63  }
0x154: {  	_ =	swait.ge [sflag:s30], $0x100  }
0x155: {  	[sflag:s30] =	ssyncset.done $0x0  }
0x156: {  	[sflag:s30] =	ssyncadd.s32 $0xFFFFFF00  }
0x157: {  	_ =	swait.ge [sflag:s30], $0x100  }
0x158: {  	[sflag:s30] =	ssyncset.done $0x0  }
0x159: {  	s31 =	simm.s32 $0x3;
	[sflag:s30] =	ssyncadd.s32 $0xFFFFFF00  }
0x15a: {  	_ =	swait.ge [sflag:s31], $0x200  }
0x15b: {  	[sflag:s31] =	ssyncset.done $0x0  }
0x15c: {  	[sflag:s31] =	ssyncadd.s32 $0xFFFFFE00  }
0x15d: {  	_ =	sfence.sel $0x180000  }
0x15e: {  	[bflag:$0x0] =	sbarrier.arrive $0xFFFF  }
0x15f: {  	p0 =	sne.s32 s15, $0x0;
	_ =	strace $0x90000047  }
0x160: {  	s0 =	sadd.s32 @!p0 $0x100000, s0;
	[bflag:$0x2] =	sbarrier.arrive $0xFFFF  }
0x161: {  	[sflag:s0] =	ssyncadd.tile.s32 @!p0 $0x1;
	_ =	shalt  }
.Lfunc_end2:
_tile_overlayer_lowered:
.L_overlay_start_2:
0x162: {  	(tag) =	ssettag $0x2  }
0x163: {  	s0 =	rddreg [dreg:$0x0];
	s2 =	stileid.u32  }
0x164: {  	s1 =	rddreg [dreg:$0x1];
	p0 =	sne.s32 s2, $0x0  }
0x165: {  	s3 =	rddreg [dreg:$0x2];
	[bflag:$0x3] =	sbarrier.arrive $0xFFFF;
	s2 =	simm.s32 @!p0 $0x1C05  }
0x166: {  	[timem:s3], [sflag:s2] =	dma.local @!p0 [hbm:s0], s1  }
0x167: {  	s0 =	simm.s32 @!p0 $0x5  }
0x168: {  	_ =	swait.ge @!p0 [sflag:s0], s1  }
0x169: {  	s1 =	ssub.s32 @!p0 $0x0, s1;
	[sflag:s0] =	ssyncset.done @!p0 $0x0  }
0x16a: {  	[sflag:s0] =	ssyncadd.s32 @!p0 s1  }
0x16b: {  	[bflag:$0x3] =	sbarrier.arrive $0xFFFF  }
0x16c: {  	_ =	shalt  }

</sc_bundles>
